<compile_context>
chip_gen: v7x
topology: tpu7x:2x2x1
jax: 0.10.2.dev20260603
libtpu: 0.0.44.dev20260713+nightly
codegen_flags: <defaults>
</compile_context>

<pallas_src>
import functools

import jax
import jax.numpy as jnp
from jax import lax
from jax.experimental import pallas as pl
from jax.experimental.pallas import tpu as pltpu
from jax.experimental.pallas import tpu_sc as plsc

NUM_CORES = 2
NUM_SUBCORES = 16
CH = 128
FRAC0 = 0.584
BLK = 128


def _sc_scatter_kernel(n_pad, nch0, nch1, nchmax, rows_per_tile):
    mesh = plsc.VectorSubcoreMesh(
        core_axis_name="c", subcore_axis_name="s")

    @functools.partial(
        pl.kernel,
        out_type=jax.ShapeDtypeStruct((NUM_CORES, n_pad, 128), jnp.float32),
        mesh=mesh,
        scratch_types=[
            pltpu.VMEM_SHARED((n_pad, 128), jnp.float32),
            pltpu.VMEM((nchmax, CH), jnp.int32),
            pltpu.VMEM((nchmax, CH), jnp.int32),
            pltpu.VMEM((CH, 128), jnp.float32),
            pltpu.SemaphoreType.DMA,
        ],
    )
    def sc_kernel(h_hbm, src_hbm, dst_hbm, zeros_hbm, m_out,
                  acc_sh, srcw, dstw, rows, sem):
        c = lax.axis_index("c")
        s = lax.axis_index("s")
        wid = c * NUM_SUBCORES + s
        tile_lo = s * rows_per_tile
        pltpu.sync_copy(zeros_hbm, acc_sh.at[pl.ds(tile_lo, rows_per_tile)])
        pltpu.sync_copy(src_hbm.at[wid], srcw)
        pltpu.sync_copy(dst_hbm.at[wid], dstw)
        plsc.subcore_barrier()

        def step(j, carry):
            pltpu.async_copy(h_hbm.at[srcw.at[j]], rows, sem).wait()
            pltpu.sync_copy(rows, acc_sh.at[dstw.at[j]], add=True)
            return carry

        nch_c = jnp.where(c == 0, nch0, nch1)
        lax.fori_loop(0, nch_c, step, 0)
        plsc.subcore_barrier()
        pltpu.sync_copy(acc_sh.at[pl.ds(tile_lo, rows_per_tile)],
                        m_out.at[c, pl.ds(tile_lo, rows_per_tile)])

    return sc_kernel


def _tc_gru(m2, h, hist, wih, whh, bih, bhh, n_valid):
    n_pad, d = h.shape
    grid = n_pad // BLK

    def body(m2_ref, h_ref, hist_ref, wih_ref, whh_ref, bih_ref, bhh_ref,
             hn_ref, histn_ref):
        i = pl.program_id(0)
        m = m2_ref[0] + m2_ref[1]
        hv = h_ref[...]
        gi = jnp.dot(m, wih_ref[...], preferred_element_type=jnp.float32)
        gi = gi + bih_ref[...]
        gh = jnp.dot(hv, whh_ref[...], preferred_element_type=jnp.float32)
        gh = gh + bhh_ref[...]
        r = jax.nn.sigmoid(gi[:, 0:d] + gh[:, 0:d])
        z = jax.nn.sigmoid(gi[:, d:2 * d] + gh[:, d:2 * d])
        n = jnp.tanh(gi[:, 2 * d:3 * d] + r * gh[:, 2 * d:3 * d])
        hn = (1.0 - z) * n + z * hv
        rows = i * BLK + lax.broadcasted_iota(jnp.int32, (BLK, 1), 0)
        hn = jnp.where(rows < n_valid, hn, 0.0)
        hn_ref[...] = hn
        histn_ref[...] = hist_ref[...] + hn

    return pl.pallas_call(
        body,
        grid=(grid,),
        in_specs=[
            pl.BlockSpec((NUM_CORES, BLK, d), lambda i: (0, i, 0)),
            pl.BlockSpec((BLK, d), lambda i: (i, 0)),
            pl.BlockSpec((BLK, d), lambda i: (i, 0)),
            pl.BlockSpec((d, 3 * d), lambda i: (0, 0)),
            pl.BlockSpec((d, 3 * d), lambda i: (0, 0)),
            pl.BlockSpec((1, 3 * d), lambda i: (0, 0)),
            pl.BlockSpec((1, 3 * d), lambda i: (0, 0)),
        ],
        out_specs=[
            pl.BlockSpec((BLK, d), lambda i: (i, 0)),
            pl.BlockSpec((BLK, d), lambda i: (i, 0)),
        ],
        out_shape=[
            jax.ShapeDtypeStruct((n_pad, d), jnp.float32),
            jax.ShapeDtypeStruct((n_pad, d), jnp.float32),
        ],
    )(m2, h, hist, wih, whh, bih, bhh)


def _tc_gru_pool_head(m2, h, hist, wih, whh, bih, bhh, n_valid,
                      batch3, y2, w1, b1, w2, b2, num_graphs):
    n_pad, d = h.shape
    grid = n_pad // BLK
    g = num_graphs

    def body(m2_ref, h_ref, hist_ref, wih_ref, whh_ref, bih_ref, bhh_ref,
             batch_ref, y_ref, w1_ref, b1_ref, w2_ref, b2_ref,
             scores_ref, loss_ref, acc_ref):
        i = pl.program_id(0)

        @pl.when(i == 0)
        def _():
            acc_ref[...] = jnp.zeros_like(acc_ref)

        m = m2_ref[0] + m2_ref[1]
        hv = h_ref[...]
        gi = jnp.dot(m, wih_ref[...], preferred_element_type=jnp.float32)
        gi = gi + bih_ref[...]
        gh = jnp.dot(hv, whh_ref[...], preferred_element_type=jnp.float32)
        gh = gh + bhh_ref[...]
        r = jax.nn.sigmoid(gi[:, 0:d] + gh[:, 0:d])
        z = jax.nn.sigmoid(gi[:, d:2 * d] + gh[:, d:2 * d])
        n = jnp.tanh(gi[:, 2 * d:3 * d] + r * gh[:, 2 * d:3 * d])
        hn = (1.0 - z) * n + z * hv
        rows = i * BLK + lax.broadcasted_iota(jnp.int32, (BLK, 1), 0)
        hn = jnp.where(rows < n_valid, hn, 0.0)
        histn = hist_ref[...] + hn

        b = batch_ref[0]
        gids = lax.broadcasted_iota(jnp.int32, (g, BLK), 0)
        onehot = (b == gids).astype(jnp.float32)
        acc_ref[...] += jnp.dot(onehot, histn,
                                preferred_element_type=jnp.float32)

        @pl.when(i == grid - 1)
        def _():
            pooled = acc_ref[...]
            hdn = jnp.dot(pooled, w1_ref[...],
                          preferred_element_type=jnp.float32) + b1_ref[...]
            hdn = jnp.maximum(hdn, 0.0)
            s = jnp.dot(hdn, w2_ref[...],
                        preferred_element_type=jnp.float32) + b2_ref[...]
            scores_ref[...] = s
            yv = y_ref[...]
            l = jnp.maximum(s, 0.0) - s * yv + jnp.log1p(jnp.exp(-jnp.abs(s)))
            loss_ref[...] = jnp.sum(l, keepdims=True) * (1.0 / g)

    return pl.pallas_call(
        body,
        grid=(grid,),
        in_specs=[
            pl.BlockSpec((NUM_CORES, BLK, d), lambda i: (0, i, 0)),
            pl.BlockSpec((BLK, d), lambda i: (i, 0)),
            pl.BlockSpec((BLK, d), lambda i: (i, 0)),
            pl.BlockSpec((d, 3 * d), lambda i: (0, 0)),
            pl.BlockSpec((d, 3 * d), lambda i: (0, 0)),
            pl.BlockSpec((1, 3 * d), lambda i: (0, 0)),
            pl.BlockSpec((1, 3 * d), lambda i: (0, 0)),
            pl.BlockSpec((1, 1, BLK), lambda i: (i, 0, 0)),
            pl.BlockSpec((g, 1), lambda i: (0, 0)),
            pl.BlockSpec((d, d), lambda i: (0, 0)),
            pl.BlockSpec((1, d), lambda i: (0, 0)),
            pl.BlockSpec((d, 1), lambda i: (0, 0)),
            pl.BlockSpec((1, 1), lambda i: (0, 0)),
        ],
        out_specs=[
            pl.BlockSpec((g, 1), lambda i: (0, 0)),
            pl.BlockSpec((1, 1), lambda i: (0, 0)),
        ],
        out_shape=[
            jax.ShapeDtypeStruct((g, 1), jnp.float32),
            jax.ShapeDtypeStruct((1, 1), jnp.float32),
        ],
        scratch_shapes=[pltpu.VMEM((g, d), jnp.float32)],
    )(m2, h, hist, wih, whh, bih, bhh, batch3, y2, w1, b1, w2, b2)


def kernel(x, edge_index, batch, y, num_graphs, W_ih, W_hh, b_ih, b_hh,
           W1, b1, W2, b2):
    n, d = x.shape
    e = edge_index.shape[1]
    g = y.shape[0]
    num_block = W_ih.shape[0]
    n_workers = NUM_CORES * NUM_SUBCORES

    n_pad = ((n + BLK - 1) // BLK) * BLK
    if n_pad == n:
        n_pad += BLK
    rows_per_tile = n_pad // NUM_SUBCORES
    total_chunks = (e + CH - 1) // CH
    nch0 = -(-int(round(total_chunks * FRAC0)) // NUM_SUBCORES)
    rem = max(total_chunks - nch0 * NUM_SUBCORES, 0)
    nch1 = max(-(-rem // NUM_SUBCORES), 1)
    nchmax = max(nch0, nch1)
    e0 = nch0 * CH * NUM_SUBCORES
    e1 = nch1 * CH * NUM_SUBCORES
    e_pad = e0 + e1

    src = edge_index[0]
    dst = edge_index[1]
    pad_ids = jnp.full((e_pad - e,), n, dtype=jnp.int32)

    def slab(ids):
        idsp = jnp.concatenate([ids, pad_ids])
        a = idsp[:e0].reshape(NUM_SUBCORES, nch0, CH)
        b = idsp[e0:].reshape(NUM_SUBCORES, nch1, CH)
        fill = jnp.full((NUM_SUBCORES, nchmax - nch1, CH), n, jnp.int32)
        b = jnp.concatenate([b, fill], axis=1)
        filla = jnp.full((NUM_SUBCORES, nchmax - nch0, CH), n, jnp.int32)
        a = jnp.concatenate([a, filla], axis=1)
        return jnp.concatenate([a, b], axis=0)

    srcp = slab(src)
    dstp = slab(dst)

    h = jnp.zeros((n_pad, d), jnp.float32).at[:n].set(x)
    hist = h
    zeros_rt = jnp.zeros((rows_per_tile, d), jnp.float32)

    sc_scatter = _sc_scatter_kernel(n_pad, nch0, nch1, nchmax, rows_per_tile)

    bih2 = b_ih.reshape(num_block, 1, 3 * d)
    bhh2 = b_hh.reshape(num_block, 1, 3 * d)
    for i in range(num_block - 1):
        m2 = sc_scatter(h, srcp, dstp, zeros_rt)
        h, hist = _tc_gru(m2, h, hist, W_ih[i], W_hh[i], bih2[i], bhh2[i], n)

    batch3 = jnp.concatenate(
        [batch, jnp.full((n_pad - n,), g, dtype=jnp.int32)]
    ).reshape(n_pad // BLK, 1, BLK)
    m2 = sc_scatter(h, srcp, dstp, zeros_rt)
    i = num_block - 1
    scores2, loss2 = _tc_gru_pool_head(
        m2, h, hist, W_ih[i], W_hh[i], bih2[i], bhh2[i], n,
        batch3, y.reshape(g, 1), W1, b1.reshape(1, d), W2,
        b2.reshape(1, 1), g)
    return scores2[:, 0], loss2[0, 0] + 0.0 * num_graphs

# --- scband reference (transcript-rebuilt; emitter-appended) ---
"""Pipeline reference for scband-my-model-pyg-62852551409762 (READ-ONLY COPY).

The authoritative reference and input builder live on the scoring server;
editing this copy changes nothing except your own understanding.
"""

import jax, jax.numpy as jnp
import numpy as np

NUM_BLOCK = 3
N = 10000
E = 320000
D = 128
G = 64


def setup_inputs(seed: int = 0) -> dict:
    key = jax.random.key(seed)
    ks = jax.random.split(key, 12)
    x = jax.random.normal(ks[0], (N, D), dtype=jnp.float32)
    edge_index = jax.random.randint(ks[1], (2, E), 0, N, dtype=jnp.int32)
    batch = jnp.sort(jax.random.randint(ks[2], (N,), 0, G, dtype=jnp.int32))
    y = jax.random.uniform(ks[3], (G,), dtype=jnp.float32)
    W_ih = jax.random.normal(ks[4], (NUM_BLOCK, D, 3 * D), dtype=jnp.float32) * 0.05
    W_hh = jax.random.normal(ks[5], (NUM_BLOCK, D, 3 * D), dtype=jnp.float32) * 0.05
    b_ih = jnp.zeros((NUM_BLOCK, 3 * D), dtype=jnp.float32)
    b_hh = jnp.zeros((NUM_BLOCK, 3 * D), dtype=jnp.float32)
    W1 = jax.random.normal(ks[6], (D, D), dtype=jnp.float32) * 0.05
    b1 = jnp.zeros((D,), dtype=jnp.float32)
    W2 = jax.random.normal(ks[7], (D, 1), dtype=jnp.float32) * 0.05
    b2 = jnp.zeros((1,), dtype=jnp.float32)
    return {"x": x, "edge_index": edge_index, "batch": batch, "y": y,
            "num_graphs": G, "W_ih": W_ih, "W_hh": W_hh, "b_ih": b_ih,
            "b_hh": b_hh, "W1": W1, "b1": b1, "W2": W2, "b2": b2}


def _gru_cell(m, h, Wih, Whh, bih, bhh):
    gi = m @ Wih + bih
    gh = h @ Whh + bhh
    i_r, i_z, i_n = jnp.split(gi, 3, axis=-1)
    h_r, h_z, h_n = jnp.split(gh, 3, axis=-1)
    r = jax.nn.sigmoid(i_r + h_r)
    z = jax.nn.sigmoid(i_z + h_z)
    n = jnp.tanh(i_n + r * h_n)
    return (1.0 - z) * n + z * h


def reference(x, edge_index, batch, y, num_graphs, W_ih, W_hh, b_ih, b_hh, W1, b1, W2, b2):
    src = edge_index[0]
    dst = edge_index[1]
    h = x
    hist_sum = x
    for i in range(NUM_BLOCK):
        # GRUPYG block: aggregate neighbor messages via scatter-add, then GRU update
        m = jax.ops.segment_sum(h[src], dst, num_segments=x.shape[0])
        h = _gru_cell(m, h, W_ih[i], W_hh[i], b_ih[i], b_hh[i])
        hist_sum = hist_sum + h  # sum of history_embeds
    # is_sag = False branch: scatter_add over graph ids
    pooled = jax.ops.segment_sum(hist_sum, batch, num_segments=y.shape[0])
    # MLP head -> scalar score per graph
    hdn = jax.nn.relu(pooled @ W1 + b1)
    scores = (hdn @ W2 + b2)[:, 0]
    # BCE-with-logits loss (MyLoss)
    loss = jnp.mean(jnp.maximum(scores, 0.0) - scores * y + jnp.log1p(jnp.exp(-jnp.abs(scores))))
    loss = loss + 0.0 * num_graphs
    return (scores, loss)

if __name__ == "__main__":
    import jax
    _d = setup_inputs()
    print(jax.jit(kernel)(*tuple(_d.values())))

</pallas_src>

<mosaic_0001>
#map = affine_map<(d0, d1) -> (0, 0)>
#map1 = affine_map<(d0, d1) -> (0, 0, 0)>
module attributes {stable_mosaic.version = 14 : i64} {
  func.func @sc_kernel(%arg0: i32, %arg1: i32, %arg2: memref<10112x128xf32, #tpu.memory_space<hbm>>, %arg3: memref<32x92x128xi32, #tpu.memory_space<hbm>>, %arg4: memref<32x92x128xi32, #tpu.memory_space<hbm>>, %arg5: memref<632x128xf32, #tpu.memory_space<hbm>>, %arg6: memref<2x10112x128xf32, #tpu.memory_space<hbm>>, %arg7: memref<10112x128xf32, #tpu.memory_space<vmem_shared>>, %arg8: memref<92x128xi32, #tpu.memory_space<vmem>>, %arg9: memref<92x128xi32, #tpu.memory_space<vmem>>, %arg10: memref<128x128xf32, #tpu.memory_space<vmem>>, %arg11: memref<!tpu.dma_semaphore, #tpu.memory_space<semaphore_mem>>) attributes {dimension_semantics = [#tpu.dimension_semantics<core_parallel>, #tpu.dimension_semantics<subcore_parallel>], iteration_bounds = array<i64: 2, 16>, scalar_prefetch = 0 : i64, scratch_operands = 5 : i64, tpu.core_type = #tpu.core_type<sc_vector_subcore>, window_params = [{transform_indices = #map}, {transform_indices = #map1}, {transform_indices = #map1}, {transform_indices = #map}, {transform_indices = #map1}]} {
    %mul3A = arith.constant 16 : i32
    %mul3A_0 = arith.muli %arg0, %mul3A : i32
    %add3A = arith.addi %mul3A_0, %arg1 : i32
    %mul3A_1 = arith.constant 632 : i32
    %mul3A_2 = arith.muli %arg1, %mul3A_1 : i32
    "tpu.region"() ({
      %run_scoped3A = tpu.sem_alloc : memref<!tpu.dma_semaphore, #tpu.memory_space<semaphore_mem>>
      %dma_start3A = arith.constant 0 : i32
      %dma_start3A_15 = tpu.memref_slice %arg7[%mul3A_2, %dma_start3A] : memref<10112x128xf32, #tpu.memory_space<vmem_shared>> -> memref<632x128xf32, #tpu.memory_space<vmem_shared>>
      tpu.enqueue_dma source(%arg5 : memref<632x128xf32, #tpu.memory_space<hbm>>) target(%dma_start3A_15 : memref<632x128xf32, #tpu.memory_space<vmem_shared>>) target_semaphore(%run_scoped3A : memref<!tpu.dma_semaphore, #tpu.memory_space<semaphore_mem>>)
      %dma_wait3A = arith.constant 0 : i32
      %dma_wait3A_16 = tpu.memref_slice %arg7[%mul3A_2, %dma_wait3A] : memref<10112x128xf32, #tpu.memory_space<vmem_shared>> -> memref<632x128xf32, #tpu.memory_space<vmem_shared>>
      tpu.wait_dma2 semaphore(%run_scoped3A : memref<!tpu.dma_semaphore, #tpu.memory_space<semaphore_mem>>) src(%arg5 : memref<632x128xf32, #tpu.memory_space<hbm>>) dst(%dma_wait3A_16 : memref<632x128xf32, #tpu.memory_space<vmem_shared>>)
      tpu.yield
    }) : () -> ()
    "tpu.region"() ({
      %run_scoped3A = tpu.sem_alloc : memref<!tpu.dma_semaphore, #tpu.memory_space<semaphore_mem>>
      %dma_start3A = arith.constant 0 : i32
      %dma_start3A_15 = arith.constant 0 : i32
      %dma_start3A_16 = tpu.memref_slice %arg3[%add3A, %dma_start3A, %dma_start3A_15] : memref<32x92x128xi32, #tpu.memory_space<hbm>> -> memref<1x92x128xi32, #tpu.memory_space<hbm>>
      %dma_start3A_17 = tpu.memref_squeeze %dma_start3A_16 : memref<1x92x128xi32, #tpu.memory_space<hbm>> -> memref<92x128xi32, #tpu.memory_space<hbm>>
      %dma_start3A_18 = arith.constant 0 : i32
      %dma_start3A_19 = arith.constant 0 : i32
      %dma_start3A_20 = tpu.memref_slice %arg3[%add3A, %dma_start3A_18, %dma_start3A_19] : memref<32x92x128xi32, #tpu.memory_space<hbm>> -> memref<1x92x128xi32, #tpu.memory_space<hbm>>
      %dma_start3A_21 = tpu.memref_squeeze %dma_start3A_20 : memref<1x92x128xi32, #tpu.memory_space<hbm>> -> memref<92x128xi32, #tpu.memory_space<hbm>>
      tpu.enqueue_dma source(%dma_start3A_21 : memref<92x128xi32, #tpu.memory_space<hbm>>) target(%arg8 : memref<92x128xi32, #tpu.memory_space<vmem>>) target_semaphore(%run_scoped3A : memref<!tpu.dma_semaphore, #tpu.memory_space<semaphore_mem>>)
      %dma_wait3A = arith.constant 0 : i32
      %dma_wait3A_22 = arith.constant 0 : i32
      %dma_wait3A_23 = tpu.memref_slice %arg3[%add3A, %dma_wait3A, %dma_wait3A_22] : memref<32x92x128xi32, #tpu.memory_space<hbm>> -> memref<1x92x128xi32, #tpu.memory_space<hbm>>
      %dma_wait3A_24 = tpu.memref_squeeze %dma_wait3A_23 : memref<1x92x128xi32, #tpu.memory_space<hbm>> -> memref<92x128xi32, #tpu.memory_space<hbm>>
      %dma_wait3A_25 = arith.constant 0 : i32
      %dma_wait3A_26 = arith.constant 0 : i32
      %dma_wait3A_27 = tpu.memref_slice %arg3[%add3A, %dma_wait3A_25, %dma_wait3A_26] : memref<32x92x128xi32, #tpu.memory_space<hbm>> -> memref<1x92x128xi32, #tpu.memory_space<hbm>>
      %dma_wait3A_28 = tpu.memref_squeeze %dma_wait3A_27 : memref<1x92x128xi32, #tpu.memory_space<hbm>> -> memref<92x128xi32, #tpu.memory_space<hbm>>
      tpu.wait_dma2 semaphore(%run_scoped3A : memref<!tpu.dma_semaphore, #tpu.memory_space<semaphore_mem>>) src(%dma_wait3A_28 : memref<92x128xi32, #tpu.memory_space<hbm>>) dst(%arg8 : memref<92x128xi32, #tpu.memory_space<vmem>>)
      tpu.yield
    }) : () -> ()
    "tpu.region"() ({
      %run_scoped3A = tpu.sem_alloc : memref<!tpu.dma_semaphore, #tpu.memory_space<semaphore_mem>>
      %dma_start3A = arith.constant 0 : i32
      %dma_start3A_15 = arith.constant 0 : i32
      %dma_start3A_16 = tpu.memref_slice %arg4[%add3A, %dma_start3A, %dma_start3A_15] : memref<32x92x128xi32, #tpu.memory_space<hbm>> -> memref<1x92x128xi32, #tpu.memory_space<hbm>>
      %dma_start3A_17 = tpu.memref_squeeze %dma_start3A_16 : memref<1x92x128xi32, #tpu.memory_space<hbm>> -> memref<92x128xi32, #tpu.memory_space<hbm>>
      %dma_start3A_18 = arith.constant 0 : i32
      %dma_start3A_19 = arith.constant 0 : i32
      %dma_start3A_20 = tpu.memref_slice %arg4[%add3A, %dma_start3A_18, %dma_start3A_19] : memref<32x92x128xi32, #tpu.memory_space<hbm>> -> memref<1x92x128xi32, #tpu.memory_space<hbm>>
      %dma_start3A_21 = tpu.memref_squeeze %dma_start3A_20 : memref<1x92x128xi32, #tpu.memory_space<hbm>> -> memref<92x128xi32, #tpu.memory_space<hbm>>
      tpu.enqueue_dma source(%dma_start3A_21 : memref<92x128xi32, #tpu.memory_space<hbm>>) target(%arg9 : memref<92x128xi32, #tpu.memory_space<vmem>>) target_semaphore(%run_scoped3A : memref<!tpu.dma_semaphore, #tpu.memory_space<semaphore_mem>>)
      %dma_wait3A = arith.constant 0 : i32
      %dma_wait3A_22 = arith.constant 0 : i32
      %dma_wait3A_23 = tpu.memref_slice %arg4[%add3A, %dma_wait3A, %dma_wait3A_22] : memref<32x92x128xi32, #tpu.memory_space<hbm>> -> memref<1x92x128xi32, #tpu.memory_space<hbm>>
      %dma_wait3A_24 = tpu.memref_squeeze %dma_wait3A_23 : memref<1x92x128xi32, #tpu.memory_space<hbm>> -> memref<92x128xi32, #tpu.memory_space<hbm>>
      %dma_wait3A_25 = arith.constant 0 : i32
      %dma_wait3A_26 = arith.constant 0 : i32
      %dma_wait3A_27 = tpu.memref_slice %arg4[%add3A, %dma_wait3A_25, %dma_wait3A_26] : memref<32x92x128xi32, #tpu.memory_space<hbm>> -> memref<1x92x128xi32, #tpu.memory_space<hbm>>
      %dma_wait3A_28 = tpu.memref_squeeze %dma_wait3A_27 : memref<1x92x128xi32, #tpu.memory_space<hbm>> -> memref<92x128xi32, #tpu.memory_space<hbm>>
      tpu.wait_dma2 semaphore(%run_scoped3A : memref<!tpu.dma_semaphore, #tpu.memory_space<semaphore_mem>>) src(%dma_wait3A_28 : memref<92x128xi32, #tpu.memory_space<hbm>>) dst(%arg9 : memref<92x128xi32, #tpu.memory_space<vmem>>)
      tpu.yield
    }) : () -> ()
    %barrier3A = arith.constant 0 : index
    tpu.barrier barrier_id(%barrier3A)
    %eq3A = arith.constant 0 : i32
    %eq3A_3 = arith.cmpi eq, %arg0, %eq3A : i32
    %jit3A = arith.constant 92 : i32
    %jit3A_4 = arith.constant 65 : i32
    %select_n3A = arith.select %eq3A_3, %jit3A, %jit3A_4 : i32
    %while3A = arith.constant 0 : i32
    %while3A_5 = arith.constant 0 : i32
    %while3A_6 = arith.subi %select_n3A, %while3A_5 : i32
    %while3A_7 = arith.addi %while3A_5, %while3A_6 : i32
    %while3A_8 = arith.constant 1 : i32
    %while3A_9 = arith.divsi %while3A_6, %while3A_8 : i32
    %while3A_10 = arith.muli %while3A_9, %while3A_8 : i32
    %while3A_11 = arith.addi %while3A_5, %while3A_10 : i32
    %while3A_12 = arith.constant 1 : i32
    scf.for %while3A_15 = %while3A_5 to %while3A_11 step %while3A_12  : i32 {
      %dma_start3A = arith.constant 0 : i32
      %dma_start3A_16 = tpu.memref_slice %arg8[%while3A_15, %dma_start3A] : memref<92x128xi32, #tpu.memory_space<vmem>> -> memref<1x128xi32, #tpu.memory_space<vmem>>
      %dma_start3A_17 = tpu.memref_squeeze %dma_start3A_16 : memref<1x128xi32, #tpu.memory_space<vmem>> -> memref<128xi32, #tpu.memory_space<vmem>>
      %dma_start3A_18 = arith.constant 0 : i32
      %dma_start3A_19 = arith.constant 0 : i32
      %dma_start3A_20 = tpu.memref_slice %arg2[%dma_start3A_18, %dma_start3A_19] : memref<10112x128xf32, #tpu.memory_space<hbm>> -> memref<10112x128xf32, #tpu.memory_space<hbm>>
      tpu.enqueue_indirect_dma source(%dma_start3A_20 : memref<10112x128xf32, #tpu.memory_space<hbm>>) target(%arg10 : memref<128x128xf32, #tpu.memory_space<vmem>>) offsets(%dma_start3A_17 : memref<128xi32, #tpu.memory_space<vmem>>) semaphore(%arg11 : memref<!tpu.dma_semaphore, #tpu.memory_space<semaphore_mem>>)
      %dma_wait3A = arith.constant 0 : i32
      %dma_wait3A_21 = tpu.memref_slice %arg8[%while3A_15, %dma_wait3A] : memref<92x128xi32, #tpu.memory_space<vmem>> -> memref<1x128xi32, #tpu.memory_space<vmem>>
      %dma_wait3A_22 = tpu.memref_squeeze %dma_wait3A_21 : memref<1x128xi32, #tpu.memory_space<vmem>> -> memref<128xi32, #tpu.memory_space<vmem>>
      %dma_wait3A_23 = arith.constant 0 : i32
      %dma_wait3A_24 = arith.constant 0 : i32
      %dma_wait3A_25 = tpu.memref_slice %arg2[%dma_wait3A_23, %dma_wait3A_24] : memref<10112x128xf32, #tpu.memory_space<hbm>> -> memref<10112x128xf32, #tpu.memory_space<hbm>>
      tpu.wait_indirect_dma semaphore(%arg11 : memref<!tpu.dma_semaphore, #tpu.memory_space<semaphore_mem>>) src(%dma_wait3A_25 : memref<10112x128xf32, #tpu.memory_space<hbm>>) dst(%arg10 : memref<128x128xf32, #tpu.memory_space<vmem>>)
      "tpu.region"() ({
        %run_scoped3A = tpu.sem_alloc : memref<!tpu.dma_semaphore, #tpu.memory_space<semaphore_mem>>
        %dma_start3A_26 = arith.constant 0 : i32
        %dma_start3A_27 = tpu.memref_slice %arg9[%while3A_15, %dma_start3A_26] : memref<92x128xi32, #tpu.memory_space<vmem>> -> memref<1x128xi32, #tpu.memory_space<vmem>>
        %dma_start3A_28 = tpu.memref_squeeze %dma_start3A_27 : memref<1x128xi32, #tpu.memory_space<vmem>> -> memref<128xi32, #tpu.memory_space<vmem>>
        %dma_start3A_29 = arith.constant 0 : i32
        %dma_start3A_30 = arith.constant 0 : i32
        %dma_start3A_31 = tpu.memref_slice %arg7[%dma_start3A_29, %dma_start3A_30] : memref<10112x128xf32, #tpu.memory_space<vmem_shared>> -> memref<10112x128xf32, #tpu.memory_space<vmem_shared>>
        tpu.enqueue_indirect_dma source(%arg10 : memref<128x128xf32, #tpu.memory_space<vmem>>) target(%dma_start3A_31 : memref<10112x128xf32, #tpu.memory_space<vmem_shared>>) offsets(%dma_start3A_28 : memref<128xi32, #tpu.memory_space<vmem>>) semaphore(%run_scoped3A : memref<!tpu.dma_semaphore, #tpu.memory_space<semaphore_mem>>) {add = true}
        %dma_wait3A_32 = arith.constant 0 : i32
        %dma_wait3A_33 = tpu.memref_slice %arg9[%while3A_15, %dma_wait3A_32] : memref<92x128xi32, #tpu.memory_space<vmem>> -> memref<1x128xi32, #tpu.memory_space<vmem>>
        %dma_wait3A_34 = tpu.memref_squeeze %dma_wait3A_33 : memref<1x128xi32, #tpu.memory_space<vmem>> -> memref<128xi32, #tpu.memory_space<vmem>>
        %dma_wait3A_35 = arith.constant 0 : i32
        %dma_wait3A_36 = arith.constant 0 : i32
        %dma_wait3A_37 = tpu.memref_slice %arg7[%dma_wait3A_35, %dma_wait3A_36] : memref<10112x128xf32, #tpu.memory_space<vmem_shared>> -> memref<10112x128xf32, #tpu.memory_space<vmem_shared>>
        tpu.wait_indirect_dma semaphore(%run_scoped3A : memref<!tpu.dma_semaphore, #tpu.memory_space<semaphore_mem>>) src(%arg10 : memref<128x128xf32, #tpu.memory_space<vmem>>) dst(%dma_wait3A_37 : memref<10112x128xf32, #tpu.memory_space<vmem_shared>>)
        tpu.yield
      }) : () -> ()
    }
    %while3A_13 = arith.constant 1 : i32
    scf.for %while3A_15 = %while3A_11 to %while3A_7 step %while3A_13  : i32 {
      %dma_start3A = arith.constant 0 : i32
      %dma_start3A_16 = tpu.memref_slice %arg8[%while3A_15, %dma_start3A] : memref<92x128xi32, #tpu.memory_space<vmem>> -> memref<1x128xi32, #tpu.memory_space<vmem>>
      %dma_start3A_17 = tpu.memref_squeeze %dma_start3A_16 : memref<1x128xi32, #tpu.memory_space<vmem>> -> memref<128xi32, #tpu.memory_space<vmem>>
      %dma_start3A_18 = arith.constant 0 : i32
      %dma_start3A_19 = arith.constant 0 : i32
      %dma_start3A_20 = tpu.memref_slice %arg2[%dma_start3A_18, %dma_start3A_19] : memref<10112x128xf32, #tpu.memory_space<hbm>> -> memref<10112x128xf32, #tpu.memory_space<hbm>>
      tpu.enqueue_indirect_dma source(%dma_start3A_20 : memref<10112x128xf32, #tpu.memory_space<hbm>>) target(%arg10 : memref<128x128xf32, #tpu.memory_space<vmem>>) offsets(%dma_start3A_17 : memref<128xi32, #tpu.memory_space<vmem>>) semaphore(%arg11 : memref<!tpu.dma_semaphore, #tpu.memory_space<semaphore_mem>>)
      %dma_wait3A = arith.constant 0 : i32
      %dma_wait3A_21 = tpu.memref_slice %arg8[%while3A_15, %dma_wait3A] : memref<92x128xi32, #tpu.memory_space<vmem>> -> memref<1x128xi32, #tpu.memory_space<vmem>>
      %dma_wait3A_22 = tpu.memref_squeeze %dma_wait3A_21 : memref<1x128xi32, #tpu.memory_space<vmem>> -> memref<128xi32, #tpu.memory_space<vmem>>
      %dma_wait3A_23 = arith.constant 0 : i32
      %dma_wait3A_24 = arith.constant 0 : i32
      %dma_wait3A_25 = tpu.memref_slice %arg2[%dma_wait3A_23, %dma_wait3A_24] : memref<10112x128xf32, #tpu.memory_space<hbm>> -> memref<10112x128xf32, #tpu.memory_space<hbm>>
      tpu.wait_indirect_dma semaphore(%arg11 : memref<!tpu.dma_semaphore, #tpu.memory_space<semaphore_mem>>) src(%dma_wait3A_25 : memref<10112x128xf32, #tpu.memory_space<hbm>>) dst(%arg10 : memref<128x128xf32, #tpu.memory_space<vmem>>)
      "tpu.region"() ({
        %run_scoped3A = tpu.sem_alloc : memref<!tpu.dma_semaphore, #tpu.memory_space<semaphore_mem>>
        %dma_start3A_26 = arith.constant 0 : i32
        %dma_start3A_27 = tpu.memref_slice %arg9[%while3A_15, %dma_start3A_26] : memref<92x128xi32, #tpu.memory_space<vmem>> -> memref<1x128xi32, #tpu.memory_space<vmem>>
        %dma_start3A_28 = tpu.memref_squeeze %dma_start3A_27 : memref<1x128xi32, #tpu.memory_space<vmem>> -> memref<128xi32, #tpu.memory_space<vmem>>
        %dma_start3A_29 = arith.constant 0 : i32
        %dma_start3A_30 = arith.constant 0 : i32
        %dma_start3A_31 = tpu.memref_slice %arg7[%dma_start3A_29, %dma_start3A_30] : memref<10112x128xf32, #tpu.memory_space<vmem_shared>> -> memref<10112x128xf32, #tpu.memory_space<vmem_shared>>
        tpu.enqueue_indirect_dma source(%arg10 : memref<128x128xf32, #tpu.memory_space<vmem>>) target(%dma_start3A_31 : memref<10112x128xf32, #tpu.memory_space<vmem_shared>>) offsets(%dma_start3A_28 : memref<128xi32, #tpu.memory_space<vmem>>) semaphore(%run_scoped3A : memref<!tpu.dma_semaphore, #tpu.memory_space<semaphore_mem>>) {add = true}
        %dma_wait3A_32 = arith.constant 0 : i32
        %dma_wait3A_33 = tpu.memref_slice %arg9[%while3A_15, %dma_wait3A_32] : memref<92x128xi32, #tpu.memory_space<vmem>> -> memref<1x128xi32, #tpu.memory_space<vmem>>
        %dma_wait3A_34 = tpu.memref_squeeze %dma_wait3A_33 : memref<1x128xi32, #tpu.memory_space<vmem>> -> memref<128xi32, #tpu.memory_space<vmem>>
        %dma_wait3A_35 = arith.constant 0 : i32
        %dma_wait3A_36 = arith.constant 0 : i32
        %dma_wait3A_37 = tpu.memref_slice %arg7[%dma_wait3A_35, %dma_wait3A_36] : memref<10112x128xf32, #tpu.memory_space<vmem_shared>> -> memref<10112x128xf32, #tpu.memory_space<vmem_shared>>
        tpu.wait_indirect_dma semaphore(%run_scoped3A : memref<!tpu.dma_semaphore, #tpu.memory_space<semaphore_mem>>) src(%arg10 : memref<128x128xf32, #tpu.memory_space<vmem>>) dst(%dma_wait3A_37 : memref<10112x128xf32, #tpu.memory_space<vmem_shared>>)
        tpu.yield
      }) : () -> ()
    }
    %barrier3A_14 = arith.constant 0 : index
    tpu.barrier barrier_id(%barrier3A_14)
    "tpu.region"() ({
      %run_scoped3A = tpu.sem_alloc : memref<!tpu.dma_semaphore, #tpu.memory_space<semaphore_mem>>
      %dma_start3A = arith.constant 0 : i32
      %dma_start3A_15 = tpu.memref_slice %arg6[%arg0, %mul3A_2, %dma_start3A] : memref<2x10112x128xf32, #tpu.memory_space<hbm>> -> memref<1x632x128xf32, #tpu.memory_space<hbm>>
      %dma_start3A_16 = tpu.memref_squeeze %dma_start3A_15 : memref<1x632x128xf32, #tpu.memory_space<hbm>> -> memref<632x128xf32, #tpu.memory_space<hbm>>
      %dma_start3A_17 = arith.constant 0 : i32
      %dma_start3A_18 = tpu.memref_slice %arg7[%mul3A_2, %dma_start3A_17] : memref<10112x128xf32, #tpu.memory_space<vmem_shared>> -> memref<632x128xf32, #tpu.memory_space<vmem_shared>>
      tpu.enqueue_dma source(%dma_start3A_18 : memref<632x128xf32, #tpu.memory_space<vmem_shared>>) target(%dma_start3A_16 : memref<632x128xf32, #tpu.memory_space<hbm>>) target_semaphore(%run_scoped3A : memref<!tpu.dma_semaphore, #tpu.memory_space<semaphore_mem>>)
      %dma_wait3A = arith.constant 0 : i32
      %dma_wait3A_19 = tpu.memref_slice %arg6[%arg0, %mul3A_2, %dma_wait3A] : memref<2x10112x128xf32, #tpu.memory_space<hbm>> -> memref<1x632x128xf32, #tpu.memory_space<hbm>>
      %dma_wait3A_20 = tpu.memref_squeeze %dma_wait3A_19 : memref<1x632x128xf32, #tpu.memory_space<hbm>> -> memref<632x128xf32, #tpu.memory_space<hbm>>
      %dma_wait3A_21 = arith.constant 0 : i32
      %dma_wait3A_22 = tpu.memref_slice %arg7[%mul3A_2, %dma_wait3A_21] : memref<10112x128xf32, #tpu.memory_space<vmem_shared>> -> memref<632x128xf32, #tpu.memory_space<vmem_shared>>
      tpu.wait_dma2 semaphore(%run_scoped3A : memref<!tpu.dma_semaphore, #tpu.memory_space<semaphore_mem>>) src(%dma_wait3A_22 : memref<632x128xf32, #tpu.memory_space<vmem_shared>>) dst(%dma_wait3A_20 : memref<632x128xf32, #tpu.memory_space<hbm>>)
      tpu.yield
    }) : () -> ()
    return
  }
}

#map = affine_map<(d0, d1) -> (0, 0)>
#map1 = affine_map<(d0, d1) -> (0, 0, 0)>
module attributes {stable_mosaic.version = 14 : i64} {
  func.func @sc_kernel(%arg0: i32, %arg1: i32, %arg2: memref<10112x128xf32, #tpu.memory_space<hbm>>, %arg3: memref<32x92x128xi32, #tpu.memory_space<hbm>>, %arg4: memref<32x92x128xi32, #tpu.memory_space<hbm>>, %arg5: memref<632x128xf32, #tpu.memory_space<hbm>>, %arg6: memref<2x10112x128xf32, #tpu.memory_space<hbm>>, %arg7: memref<10112x128xf32, #tpu.memory_space<vmem_shared>>, %arg8: memref<92x128xi32, #tpu.memory_space<vmem>>, %arg9: memref<92x128xi32, #tpu.memory_space<vmem>>, %arg10: memref<128x128xf32, #tpu.memory_space<vmem>>, %arg11: memref<!tpu.dma_semaphore, #tpu.memory_space<semaphore_mem>>) attributes {dimension_semantics = [#tpu.dimension_semantics<core_parallel>, #tpu.dimension_semantics<subcore_parallel>], iteration_bounds = array<i64: 2, 16>, scalar_prefetch = 0 : i64, scratch_operands = 5 : i64, tpu.core_type = #tpu.core_type<sc_vector_subcore>, window_params = [{transform_indices = #map}, {transform_indices = #map1}, {transform_indices = #map1}, {transform_indices = #map}, {transform_indices = #map1}]} {
    %mul3A = arith.constant 16 : i32
    %mul3A_0 = arith.muli %arg0, %mul3A : i32
    %add3A = arith.addi %mul3A_0, %arg1 : i32
    %mul3A_1 = arith.constant 632 : i32
    %mul3A_2 = arith.muli %arg1, %mul3A_1 : i32
    "tpu.region"() ({
      %run_scoped3A = tpu.sem_alloc : memref<!tpu.dma_semaphore, #tpu.memory_space<semaphore_mem>>
      %dma_start3A = arith.constant 0 : i32
      %dma_start3A_15 = tpu.memref_slice %arg7[%mul3A_2, %dma_start3A] : memref<10112x128xf32, #tpu.memory_space<vmem_shared>> -> memref<632x128xf32, #tpu.memory_space<vmem_shared>>
      tpu.enqueue_dma source(%arg5 : memref<632x128xf32, #tpu.memory_space<hbm>>) target(%dma_start3A_15 : memref<632x128xf32, #tpu.memory_space<vmem_shared>>) target_semaphore(%run_scoped3A : memref<!tpu.dma_semaphore, #tpu.memory_space<semaphore_mem>>)
      %dma_wait3A = arith.constant 0 : i32
      %dma_wait3A_16 = tpu.memref_slice %arg7[%mul3A_2, %dma_wait3A] : memref<10112x128xf32, #tpu.memory_space<vmem_shared>> -> memref<632x128xf32, #tpu.memory_space<vmem_shared>>
      tpu.wait_dma2 semaphore(%run_scoped3A : memref<!tpu.dma_semaphore, #tpu.memory_space<semaphore_mem>>) src(%arg5 : memref<632x128xf32, #tpu.memory_space<hbm>>) dst(%dma_wait3A_16 : memref<632x128xf32, #tpu.memory_space<vmem_shared>>)
      tpu.yield
    }) : () -> ()
    "tpu.region"() ({
      %run_scoped3A = tpu.sem_alloc : memref<!tpu.dma_semaphore, #tpu.memory_space<semaphore_mem>>
      %dma_start3A = arith.constant 0 : i32
      %dma_start3A_15 = arith.constant 0 : i32
      %dma_start3A_16 = tpu.memref_slice %arg3[%add3A, %dma_start3A, %dma_start3A_15] : memref<32x92x128xi32, #tpu.memory_space<hbm>> -> memref<1x92x128xi32, #tpu.memory_space<hbm>>
      %dma_start3A_17 = tpu.memref_squeeze %dma_start3A_16 : memref<1x92x128xi32, #tpu.memory_space<hbm>> -> memref<92x128xi32, #tpu.memory_space<hbm>>
      %dma_start3A_18 = arith.constant 0 : i32
      %dma_start3A_19 = arith.constant 0 : i32
      %dma_start3A_20 = tpu.memref_slice %arg3[%add3A, %dma_start3A_18, %dma_start3A_19] : memref<32x92x128xi32, #tpu.memory_space<hbm>> -> memref<1x92x128xi32, #tpu.memory_space<hbm>>
      %dma_start3A_21 = tpu.memref_squeeze %dma_start3A_20 : memref<1x92x128xi32, #tpu.memory_space<hbm>> -> memref<92x128xi32, #tpu.memory_space<hbm>>
      tpu.enqueue_dma source(%dma_start3A_21 : memref<92x128xi32, #tpu.memory_space<hbm>>) target(%arg8 : memref<92x128xi32, #tpu.memory_space<vmem>>) target_semaphore(%run_scoped3A : memref<!tpu.dma_semaphore, #tpu.memory_space<semaphore_mem>>)
      %dma_wait3A = arith.constant 0 : i32
      %dma_wait3A_22 = arith.constant 0 : i32
      %dma_wait3A_23 = tpu.memref_slice %arg3[%add3A, %dma_wait3A, %dma_wait3A_22] : memref<32x92x128xi32, #tpu.memory_space<hbm>> -> memref<1x92x128xi32, #tpu.memory_space<hbm>>
      %dma_wait3A_24 = tpu.memref_squeeze %dma_wait3A_23 : memref<1x92x128xi32, #tpu.memory_space<hbm>> -> memref<92x128xi32, #tpu.memory_space<hbm>>
      %dma_wait3A_25 = arith.constant 0 : i32
      %dma_wait3A_26 = arith.constant 0 : i32
      %dma_wait3A_27 = tpu.memref_slice %arg3[%add3A, %dma_wait3A_25, %dma_wait3A_26] : memref<32x92x128xi32, #tpu.memory_space<hbm>> -> memref<1x92x128xi32, #tpu.memory_space<hbm>>
      %dma_wait3A_28 = tpu.memref_squeeze %dma_wait3A_27 : memref<1x92x128xi32, #tpu.memory_space<hbm>> -> memref<92x128xi32, #tpu.memory_space<hbm>>
      tpu.wait_dma2 semaphore(%run_scoped3A : memref<!tpu.dma_semaphore, #tpu.memory_space<semaphore_mem>>) src(%dma_wait3A_28 : memref<92x128xi32, #tpu.memory_space<hbm>>) dst(%arg8 : memref<92x128xi32, #tpu.memory_space<vmem>>)
      tpu.yield
    }) : () -> ()
    "tpu.region"() ({
      %run_scoped3A = tpu.sem_alloc : memref<!tpu.dma_semaphore, #tpu.memory_space<semaphore_mem>>
      %dma_start3A = arith.constant 0 : i32
      %dma_start3A_15 = arith.constant 0 : i32
      %dma_start3A_16 = tpu.memref_slice %arg4[%add3A, %dma_start3A, %dma_start3A_15] : memref<32x92x128xi32, #tpu.memory_space<hbm>> -> memref<1x92x128xi32, #tpu.memory_space<hbm>>
      %dma_start3A_17 = tpu.memref_squeeze %dma_start3A_16 : memref<1x92x128xi32, #tpu.memory_space<hbm>> -> memref<92x128xi32, #tpu.memory_space<hbm>>
      %dma_start3A_18 = arith.constant 0 : i32
      %dma_start3A_19 = arith.constant 0 : i32
      %dma_start3A_20 = tpu.memref_slice %arg4[%add3A, %dma_start3A_18, %dma_start3A_19] : memref<32x92x128xi32, #tpu.memory_space<hbm>> -> memref<1x92x128xi32, #tpu.memory_space<hbm>>
      %dma_start3A_21 = tpu.memref_squeeze %dma_start3A_20 : memref<1x92x128xi32, #tpu.memory_space<hbm>> -> memref<92x128xi32, #tpu.memory_space<hbm>>
      tpu.enqueue_dma source(%dma_start3A_21 : memref<92x128xi32, #tpu.memory_space<hbm>>) target(%arg9 : memref<92x128xi32, #tpu.memory_space<vmem>>) target_semaphore(%run_scoped3A : memref<!tpu.dma_semaphore, #tpu.memory_space<semaphore_mem>>)
      %dma_wait3A = arith.constant 0 : i32
      %dma_wait3A_22 = arith.constant 0 : i32
      %dma_wait3A_23 = tpu.memref_slice %arg4[%add3A, %dma_wait3A, %dma_wait3A_22] : memref<32x92x128xi32, #tpu.memory_space<hbm>> -> memref<1x92x128xi32, #tpu.memory_space<hbm>>
      %dma_wait3A_24 = tpu.memref_squeeze %dma_wait3A_23 : memref<1x92x128xi32, #tpu.memory_space<hbm>> -> memref<92x128xi32, #tpu.memory_space<hbm>>
      %dma_wait3A_25 = arith.constant 0 : i32
      %dma_wait3A_26 = arith.constant 0 : i32
      %dma_wait3A_27 = tpu.memref_slice %arg4[%add3A, %dma_wait3A_25, %dma_wait3A_26] : memref<32x92x128xi32, #tpu.memory_space<hbm>> -> memref<1x92x128xi32, #tpu.memory_space<hbm>>
      %dma_wait3A_28 = tpu.memref_squeeze %dma_wait3A_27 : memref<1x92x128xi32, #tpu.memory_space<hbm>> -> memref<92x128xi32, #tpu.memory_space<hbm>>
      tpu.wait_dma2 semaphore(%run_scoped3A : memref<!tpu.dma_semaphore, #tpu.memory_space<semaphore_mem>>) src(%dma_wait3A_28 : memref<92x128xi32, #tpu.memory_space<hbm>>) dst(%arg9 : memref<92x128xi32, #tpu.memory_space<vmem>>)
      tpu.yield
    }) : () -> ()
    %barrier3A = arith.constant 0 : index
    tpu.barrier barrier_id(%barrier3A)
    %eq3A = arith.constant 0 : i32
    %eq3A_3 = arith.cmpi eq, %arg0, %eq3A : i32
    %jit3A = arith.constant 92 : i32
    %jit3A_4 = arith.constant 65 : i32
    %select_n3A = arith.select %eq3A_3, %jit3A, %jit3A_4 : i32
    %while3A = arith.constant 0 : i32
    %while3A_5 = arith.constant 0 : i32
    %while3A_6 = arith.subi %select_n3A, %while3A_5 : i32
    %while3A_7 = arith.addi %while3A_5, %while3A_6 : i32
    %while3A_8 = arith.constant 1 : i32
    %while3A_9 = arith.divsi %while3A_6, %while3A_8 : i32
    %while3A_10 = arith.muli %while3A_9, %while3A_8 : i32
    %while3A_11 = arith.addi %while3A_5, %while3A_10 : i32
    %while3A_12 = arith.constant 1 : i32
    scf.for %while3A_15 = %while3A_5 to %while3A_11 step %while3A_12  : i32 {
      %dma_start3A = arith.constant 0 : i32
      %dma_start3A_16 = tpu.memref_slice %arg8[%while3A_15, %dma_start3A] : memref<92x128xi32, #tpu.memory_space<vmem>> -> memref<1x128xi32, #tpu.memory_space<vmem>>
      %dma_start3A_17 = tpu.memref_squeeze %dma_start3A_16 : memref<1x128xi32, #tpu.memory_space<vmem>> -> memref<128xi32, #tpu.memory_space<vmem>>
      %dma_start3A_18 = arith.constant 0 : i32
      %dma_start3A_19 = arith.constant 0 : i32
      %dma_start3A_20 = tpu.memref_slice %arg2[%dma_start3A_18, %dma_start3A_19] : memref<10112x128xf32, #tpu.memory_space<hbm>> -> memref<10112x128xf32, #tpu.memory_space<hbm>>
      tpu.enqueue_indirect_dma source(%dma_start3A_20 : memref<10112x128xf32, #tpu.memory_space<hbm>>) target(%arg10 : memref<128x128xf32, #tpu.memory_space<vmem>>) offsets(%dma_start3A_17 : memref<128xi32, #tpu.memory_space<vmem>>) semaphore(%arg11 : memref<!tpu.dma_semaphore, #tpu.memory_space<semaphore_mem>>)
      %dma_wait3A = arith.constant 0 : i32
      %dma_wait3A_21 = tpu.memref_slice %arg8[%while3A_15, %dma_wait3A] : memref<92x128xi32, #tpu.memory_space<vmem>> -> memref<1x128xi32, #tpu.memory_space<vmem>>
      %dma_wait3A_22 = tpu.memref_squeeze %dma_wait3A_21 : memref<1x128xi32, #tpu.memory_space<vmem>> -> memref<128xi32, #tpu.memory_space<vmem>>
      %dma_wait3A_23 = arith.constant 0 : i32
      %dma_wait3A_24 = arith.constant 0 : i32
      %dma_wait3A_25 = tpu.memref_slice %arg2[%dma_wait3A_23, %dma_wait3A_24] : memref<10112x128xf32, #tpu.memory_space<hbm>> -> memref<10112x128xf32, #tpu.memory_space<hbm>>
      tpu.wait_indirect_dma semaphore(%arg11 : memref<!tpu.dma_semaphore, #tpu.memory_space<semaphore_mem>>) src(%dma_wait3A_25 : memref<10112x128xf32, #tpu.memory_space<hbm>>) dst(%arg10 : memref<128x128xf32, #tpu.memory_space<vmem>>)
      "tpu.region"() ({
        %run_scoped3A = tpu.sem_alloc : memref<!tpu.dma_semaphore, #tpu.memory_space<semaphore_mem>>
        %dma_start3A_26 = arith.constant 0 : i32
        %dma_start3A_27 = tpu.memref_slice %arg9[%while3A_15, %dma_start3A_26] : memref<92x128xi32, #tpu.memory_space<vmem>> -> memref<1x128xi32, #tpu.memory_space<vmem>>
        %dma_start3A_28 = tpu.memref_squeeze %dma_start3A_27 : memref<1x128xi32, #tpu.memory_space<vmem>> -> memref<128xi32, #tpu.memory_space<vmem>>
        %dma_start3A_29 = arith.constant 0 : i32
        %dma_start3A_30 = arith.constant 0 : i32
        %dma_start3A_31 = tpu.memref_slice %arg7[%dma_start3A_29, %dma_start3A_30] : memref<10112x128xf32, #tpu.memory_space<vmem_shared>> -> memref<10112x128xf32, #tpu.memory_space<vmem_shared>>
        tpu.enqueue_indirect_dma source(%arg10 : memref<128x128xf32, #tpu.memory_space<vmem>>) target(%dma_start3A_31 : memref<10112x128xf32, #tpu.memory_space<vmem_shared>>) offsets(%dma_start3A_28 : memref<128xi32, #tpu.memory_space<vmem>>) semaphore(%run_scoped3A : memref<!tpu.dma_semaphore, #tpu.memory_space<semaphore_mem>>) {add = true}
        %dma_wait3A_32 = arith.constant 0 : i32
        %dma_wait3A_33 = tpu.memref_slice %arg9[%while3A_15, %dma_wait3A_32] : memref<92x128xi32, #tpu.memory_space<vmem>> -> memref<1x128xi32, #tpu.memory_space<vmem>>
        %dma_wait3A_34 = tpu.memref_squeeze %dma_wait3A_33 : memref<1x128xi32, #tpu.memory_space<vmem>> -> memref<128xi32, #tpu.memory_space<vmem>>
        %dma_wait3A_35 = arith.constant 0 : i32
        %dma_wait3A_36 = arith.constant 0 : i32
        %dma_wait3A_37 = tpu.memref_slice %arg7[%dma_wait3A_35, %dma_wait3A_36] : memref<10112x128xf32, #tpu.memory_space<vmem_shared>> -> memref<10112x128xf32, #tpu.memory_space<vmem_shared>>
        tpu.wait_indirect_dma semaphore(%run_scoped3A : memref<!tpu.dma_semaphore, #tpu.memory_space<semaphore_mem>>) src(%arg10 : memref<128x128xf32, #tpu.memory_space<vmem>>) dst(%dma_wait3A_37 : memref<10112x128xf32, #tpu.memory_space<vmem_shared>>)
        tpu.yield
      }) : () -> ()
    }
    %while3A_13 = arith.constant 1 : i32
    scf.for %while3A_15 = %while3A_11 to %while3A_7 step %while3A_13  : i32 {
      %dma_start3A = arith.constant 0 : i32
      %dma_start3A_16 = tpu.memref_slice %arg8[%while3A_15, %dma_start3A] : memref<92x128xi32, #tpu.memory_space<vmem>> -> memref<1x128xi32, #tpu.memory_space<vmem>>
      %dma_start3A_17 = tpu.memref_squeeze %dma_start3A_16 : memref<1x128xi32, #tpu.memory_space<vmem>> -> memref<128xi32, #tpu.memory_space<vmem>>
      %dma_start3A_18 = arith.constant 0 : i32
      %dma_start3A_19 = arith.constant 0 : i32
      %dma_start3A_20 = tpu.memref_slice %arg2[%dma_start3A_18, %dma_start3A_19] : memref<10112x128xf32, #tpu.memory_space<hbm>> -> memref<10112x128xf32, #tpu.memory_space<hbm>>
      tpu.enqueue_indirect_dma source(%dma_start3A_20 : memref<10112x128xf32, #tpu.memory_space<hbm>>) target(%arg10 : memref<128x128xf32, #tpu.memory_space<vmem>>) offsets(%dma_start3A_17 : memref<128xi32, #tpu.memory_space<vmem>>) semaphore(%arg11 : memref<!tpu.dma_semaphore, #tpu.memory_space<semaphore_mem>>)
      %dma_wait3A = arith.constant 0 : i32
      %dma_wait3A_21 = tpu.memref_slice %arg8[%while3A_15, %dma_wait3A] : memref<92x128xi32, #tpu.memory_space<vmem>> -> memref<1x128xi32, #tpu.memory_space<vmem>>
      %dma_wait3A_22 = tpu.memref_squeeze %dma_wait3A_21 : memref<1x128xi32, #tpu.memory_space<vmem>> -> memref<128xi32, #tpu.memory_space<vmem>>
      %dma_wait3A_23 = arith.constant 0 : i32
      %dma_wait3A_24 = arith.constant 0 : i32
      %dma_wait3A_25 = tpu.memref_slice %arg2[%dma_wait3A_23, %dma_wait3A_24] : memref<10112x128xf32, #tpu.memory_space<hbm>> -> memref<10112x128xf32, #tpu.memory_space<hbm>>
      tpu.wait_indirect_dma semaphore(%arg11 : memref<!tpu.dma_semaphore, #tpu.memory_space<semaphore_mem>>) src(%dma_wait3A_25 : memref<10112x128xf32, #tpu.memory_space<hbm>>) dst(%arg10 : memref<128x128xf32, #tpu.memory_space<vmem>>)
      "tpu.region"() ({
        %run_scoped3A = tpu.sem_alloc : memref<!tpu.dma_semaphore, #tpu.memory_space<semaphore_mem>>
        %dma_start3A_26 = arith.constant 0 : i32
        %dma_start3A_27 = tpu.memref_slice %arg9[%while3A_15, %dma_start3A_26] : memref<92x128xi32, #tpu.memory_space<vmem>> -> memref<1x128xi32, #tpu.memory_space<vmem>>
        %dma_start3A_28 = tpu.memref_squeeze %dma_start3A_27 : memref<1x128xi32, #tpu.memory_space<vmem>> -> memref<128xi32, #tpu.memory_space<vmem>>
        %dma_start3A_29 = arith.constant 0 : i32
        %dma_start3A_30 = arith.constant 0 : i32
        %dma_start3A_31 = tpu.memref_slice %arg7[%dma_start3A_29, %dma_start3A_30] : memref<10112x128xf32, #tpu.memory_space<vmem_shared>> -> memref<10112x128xf32, #tpu.memory_space<vmem_shared>>
        tpu.enqueue_indirect_dma source(%arg10 : memref<128x128xf32, #tpu.memory_space<vmem>>) target(%dma_start3A_31 : memref<10112x128xf32, #tpu.memory_space<vmem_shared>>) offsets(%dma_start3A_28 : memref<128xi32, #tpu.memory_space<vmem>>) semaphore(%run_scoped3A : memref<!tpu.dma_semaphore, #tpu.memory_space<semaphore_mem>>) {add = true}
        %dma_wait3A_32 = arith.constant 0 : i32
        %dma_wait3A_33 = tpu.memref_slice %arg9[%while3A_15, %dma_wait3A_32] : memref<92x128xi32, #tpu.memory_space<vmem>> -> memref<1x128xi32, #tpu.memory_space<vmem>>
        %dma_wait3A_34 = tpu.memref_squeeze %dma_wait3A_33 : memref<1x128xi32, #tpu.memory_space<vmem>> -> memref<128xi32, #tpu.memory_space<vmem>>
        %dma_wait3A_35 = arith.constant 0 : i32
        %dma_wait3A_36 = arith.constant 0 : i32
        %dma_wait3A_37 = tpu.memref_slice %arg7[%dma_wait3A_35, %dma_wait3A_36] : memref<10112x128xf32, #tpu.memory_space<vmem_shared>> -> memref<10112x128xf32, #tpu.memory_space<vmem_shared>>
        tpu.wait_indirect_dma semaphore(%run_scoped3A : memref<!tpu.dma_semaphore, #tpu.memory_space<semaphore_mem>>) src(%arg10 : memref<128x128xf32, #tpu.memory_space<vmem>>) dst(%dma_wait3A_37 : memref<10112x128xf32, #tpu.memory_space<vmem_shared>>)
        tpu.yield
      }) : () -> ()
    }
    %barrier3A_14 = arith.constant 0 : index
    tpu.barrier barrier_id(%barrier3A_14)
    "tpu.region"() ({
      %run_scoped3A = tpu.sem_alloc : memref<!tpu.dma_semaphore, #tpu.memory_space<semaphore_mem>>
      %dma_start3A = arith.constant 0 : i32
      %dma_start3A_15 = tpu.memref_slice %arg6[%arg0, %mul3A_2, %dma_start3A] : memref<2x10112x128xf32, #tpu.memory_space<hbm>> -> memref<1x632x128xf32, #tpu.memory_space<hbm>>
      %dma_start3A_16 = tpu.memref_squeeze %dma_start3A_15 : memref<1x632x128xf32, #tpu.memory_space<hbm>> -> memref<632x128xf32, #tpu.memory_space<hbm>>
      %dma_start3A_17 = arith.constant 0 : i32
      %dma_start3A_18 = tpu.memref_slice %arg7[%mul3A_2, %dma_start3A_17] : memref<10112x128xf32, #tpu.memory_space<vmem_shared>> -> memref<632x128xf32, #tpu.memory_space<vmem_shared>>
      tpu.enqueue_dma source(%dma_start3A_18 : memref<632x128xf32, #tpu.memory_space<vmem_shared>>) target(%dma_start3A_16 : memref<632x128xf32, #tpu.memory_space<hbm>>) target_semaphore(%run_scoped3A : memref<!tpu.dma_semaphore, #tpu.memory_space<semaphore_mem>>)
      %dma_wait3A = arith.constant 0 : i32
      %dma_wait3A_19 = tpu.memref_slice %arg6[%arg0, %mul3A_2, %dma_wait3A] : memref<2x10112x128xf32, #tpu.memory_space<hbm>> -> memref<1x632x128xf32, #tpu.memory_space<hbm>>
      %dma_wait3A_20 = tpu.memref_squeeze %dma_wait3A_19 : memref<1x632x128xf32, #tpu.memory_space<hbm>> -> memref<632x128xf32, #tpu.memory_space<hbm>>
      %dma_wait3A_21 = arith.constant 0 : i32
      %dma_wait3A_22 = tpu.memref_slice %arg7[%mul3A_2, %dma_wait3A_21] : memref<10112x128xf32, #tpu.memory_space<vmem_shared>> -> memref<632x128xf32, #tpu.memory_space<vmem_shared>>
      tpu.wait_dma2 semaphore(%run_scoped3A : memref<!tpu.dma_semaphore, #tpu.memory_space<semaphore_mem>>) src(%dma_wait3A_22 : memref<632x128xf32, #tpu.memory_space<vmem_shared>>) dst(%dma_wait3A_20 : memref<632x128xf32, #tpu.memory_space<hbm>>)
      tpu.yield
    }) : () -> ()
    return
  }
}

#map = affine_map<(d0, d1) -> (0, 0)>
#map1 = affine_map<(d0, d1) -> (0, 0, 0)>
module attributes {stable_mosaic.version = 14 : i64} {
  func.func @sc_kernel(%arg0: i32, %arg1: i32, %arg2: memref<10112x128xf32, #tpu.memory_space<hbm>>, %arg3: memref<32x92x128xi32, #tpu.memory_space<hbm>>, %arg4: memref<32x92x128xi32, #tpu.memory_space<hbm>>, %arg5: memref<632x128xf32, #tpu.memory_space<hbm>>, %arg6: memref<2x10112x128xf32, #tpu.memory_space<hbm>>, %arg7: memref<10112x128xf32, #tpu.memory_space<vmem_shared>>, %arg8: memref<92x128xi32, #tpu.memory_space<vmem>>, %arg9: memref<92x128xi32, #tpu.memory_space<vmem>>, %arg10: memref<128x128xf32, #tpu.memory_space<vmem>>, %arg11: memref<!tpu.dma_semaphore, #tpu.memory_space<semaphore_mem>>) attributes {dimension_semantics = [#tpu.dimension_semantics<core_parallel>, #tpu.dimension_semantics<subcore_parallel>], iteration_bounds = array<i64: 2, 16>, scalar_prefetch = 0 : i64, scratch_operands = 5 : i64, tpu.core_type = #tpu.core_type<sc_vector_subcore>, window_params = [{transform_indices = #map}, {transform_indices = #map1}, {transform_indices = #map1}, {transform_indices = #map}, {transform_indices = #map1}]} {
    %mul3A = arith.constant 16 : i32
    %mul3A_0 = arith.muli %arg0, %mul3A : i32
    %add3A = arith.addi %mul3A_0, %arg1 : i32
    %mul3A_1 = arith.constant 632 : i32
    %mul3A_2 = arith.muli %arg1, %mul3A_1 : i32
    "tpu.region"() ({
      %run_scoped3A = tpu.sem_alloc : memref<!tpu.dma_semaphore, #tpu.memory_space<semaphore_mem>>
      %dma_start3A = arith.constant 0 : i32
      %dma_start3A_15 = tpu.memref_slice %arg7[%mul3A_2, %dma_start3A] : memref<10112x128xf32, #tpu.memory_space<vmem_shared>> -> memref<632x128xf32, #tpu.memory_space<vmem_shared>>
      tpu.enqueue_dma source(%arg5 : memref<632x128xf32, #tpu.memory_space<hbm>>) target(%dma_start3A_15 : memref<632x128xf32, #tpu.memory_space<vmem_shared>>) target_semaphore(%run_scoped3A : memref<!tpu.dma_semaphore, #tpu.memory_space<semaphore_mem>>)
      %dma_wait3A = arith.constant 0 : i32
      %dma_wait3A_16 = tpu.memref_slice %arg7[%mul3A_2, %dma_wait3A] : memref<10112x128xf32, #tpu.memory_space<vmem_shared>> -> memref<632x128xf32, #tpu.memory_space<vmem_shared>>
      tpu.wait_dma2 semaphore(%run_scoped3A : memref<!tpu.dma_semaphore, #tpu.memory_space<semaphore_mem>>) src(%arg5 : memref<632x128xf32, #tpu.memory_space<hbm>>) dst(%dma_wait3A_16 : memref<632x128xf32, #tpu.memory_space<vmem_shared>>)
      tpu.yield
    }) : () -> ()
    "tpu.region"() ({
      %run_scoped3A = tpu.sem_alloc : memref<!tpu.dma_semaphore, #tpu.memory_space<semaphore_mem>>
      %dma_start3A = arith.constant 0 : i32
      %dma_start3A_15 = arith.constant 0 : i32
      %dma_start3A_16 = tpu.memref_slice %arg3[%add3A, %dma_start3A, %dma_start3A_15] : memref<32x92x128xi32, #tpu.memory_space<hbm>> -> memref<1x92x128xi32, #tpu.memory_space<hbm>>
      %dma_start3A_17 = tpu.memref_squeeze %dma_start3A_16 : memref<1x92x128xi32, #tpu.memory_space<hbm>> -> memref<92x128xi32, #tpu.memory_space<hbm>>
      %dma_start3A_18 = arith.constant 0 : i32
      %dma_start3A_19 = arith.constant 0 : i32
      %dma_start3A_20 = tpu.memref_slice %arg3[%add3A, %dma_start3A_18, %dma_start3A_19] : memref<32x92x128xi32, #tpu.memory_space<hbm>> -> memref<1x92x128xi32, #tpu.memory_space<hbm>>
      %dma_start3A_21 = tpu.memref_squeeze %dma_start3A_20 : memref<1x92x128xi32, #tpu.memory_space<hbm>> -> memref<92x128xi32, #tpu.memory_space<hbm>>
      tpu.enqueue_dma source(%dma_start3A_21 : memref<92x128xi32, #tpu.memory_space<hbm>>) target(%arg8 : memref<92x128xi32, #tpu.memory_space<vmem>>) target_semaphore(%run_scoped3A : memref<!tpu.dma_semaphore, #tpu.memory_space<semaphore_mem>>)
      %dma_wait3A = arith.constant 0 : i32
      %dma_wait3A_22 = arith.constant 0 : i32
      %dma_wait3A_23 = tpu.memref_slice %arg3[%add3A, %dma_wait3A, %dma_wait3A_22] : memref<32x92x128xi32, #tpu.memory_space<hbm>> -> memref<1x92x128xi32, #tpu.memory_space<hbm>>
      %dma_wait3A_24 = tpu.memref_squeeze %dma_wait3A_23 : memref<1x92x128xi32, #tpu.memory_space<hbm>> -> memref<92x128xi32, #tpu.memory_space<hbm>>
      %dma_wait3A_25 = arith.constant 0 : i32
      %dma_wait3A_26 = arith.constant 0 : i32
      %dma_wait3A_27 = tpu.memref_slice %arg3[%add3A, %dma_wait3A_25, %dma_wait3A_26] : memref<32x92x128xi32, #tpu.memory_space<hbm>> -> memref<1x92x128xi32, #tpu.memory_space<hbm>>
      %dma_wait3A_28 = tpu.memref_squeeze %dma_wait3A_27 : memref<1x92x128xi32, #tpu.memory_space<hbm>> -> memref<92x128xi32, #tpu.memory_space<hbm>>
      tpu.wait_dma2 semaphore(%run_scoped3A : memref<!tpu.dma_semaphore, #tpu.memory_space<semaphore_mem>>) src(%dma_wait3A_28 : memref<92x128xi32, #tpu.memory_space<hbm>>) dst(%arg8 : memref<92x128xi32, #tpu.memory_space<vmem>>)
      tpu.yield
    }) : () -> ()
    "tpu.region"() ({
      %run_scoped3A = tpu.sem_alloc : memref<!tpu.dma_semaphore, #tpu.memory_space<semaphore_mem>>
      %dma_start3A = arith.constant 0 : i32
      %dma_start3A_15 = arith.constant 0 : i32
      %dma_start3A_16 = tpu.memref_slice %arg4[%add3A, %dma_start3A, %dma_start3A_15] : memref<32x92x128xi32, #tpu.memory_space<hbm>> -> memref<1x92x128xi32, #tpu.memory_space<hbm>>
      %dma_start3A_17 = tpu.memref_squeeze %dma_start3A_16 : memref<1x92x128xi32, #tpu.memory_space<hbm>> -> memref<92x128xi32, #tpu.memory_space<hbm>>
      %dma_start3A_18 = arith.constant 0 : i32
      %dma_start3A_19 = arith.constant 0 : i32
      %dma_start3A_20 = tpu.memref_slice %arg4[%add3A, %dma_start3A_18, %dma_start3A_19] : memref<32x92x128xi32, #tpu.memory_space<hbm>> -> memref<1x92x128xi32, #tpu.memory_space<hbm>>
      %dma_start3A_21 = tpu.memref_squeeze %dma_start3A_20 : memref<1x92x128xi32, #tpu.memory_space<hbm>> -> memref<92x128xi32, #tpu.memory_space<hbm>>
      tpu.enqueue_dma source(%dma_start3A_21 : memref<92x128xi32, #tpu.memory_space<hbm>>) target(%arg9 : memref<92x128xi32, #tpu.memory_space<vmem>>) target_semaphore(%run_scoped3A : memref<!tpu.dma_semaphore, #tpu.memory_space<semaphore_mem>>)
      %dma_wait3A = arith.constant 0 : i32
      %dma_wait3A_22 = arith.constant 0 : i32
      %dma_wait3A_23 = tpu.memref_slice %arg4[%add3A, %dma_wait3A, %dma_wait3A_22] : memref<32x92x128xi32, #tpu.memory_space<hbm>> -> memref<1x92x128xi32, #tpu.memory_space<hbm>>
      %dma_wait3A_24 = tpu.memref_squeeze %dma_wait3A_23 : memref<1x92x128xi32, #tpu.memory_space<hbm>> -> memref<92x128xi32, #tpu.memory_space<hbm>>
      %dma_wait3A_25 = arith.constant 0 : i32
      %dma_wait3A_26 = arith.constant 0 : i32
      %dma_wait3A_27 = tpu.memref_slice %arg4[%add3A, %dma_wait3A_25, %dma_wait3A_26] : memref<32x92x128xi32, #tpu.memory_space<hbm>> -> memref<1x92x128xi32, #tpu.memory_space<hbm>>
      %dma_wait3A_28 = tpu.memref_squeeze %dma_wait3A_27 : memref<1x92x128xi32, #tpu.memory_space<hbm>> -> memref<92x128xi32, #tpu.memory_space<hbm>>
      tpu.wait_dma2 semaphore(%run_scoped3A : memref<!tpu.dma_semaphore, #tpu.memory_space<semaphore_mem>>) src(%dma_wait3A_28 : memref<92x128xi32, #tpu.memory_space<hbm>>) dst(%arg9 : memref<92x128xi32, #tpu.memory_space<vmem>>)
      tpu.yield
    }) : () -> ()
    %barrier3A = arith.constant 0 : index
    tpu.barrier barrier_id(%barrier3A)
    %eq3A = arith.constant 0 : i32
    %eq3A_3 = arith.cmpi eq, %arg0, %eq3A : i32
    %jit3A = arith.constant 92 : i32
    %jit3A_4 = arith.constant 65 : i32
    %select_n3A = arith.select %eq3A_3, %jit3A, %jit3A_4 : i32
    %while3A = arith.constant 0 : i32
    %while3A_5 = arith.constant 0 : i32
    %while3A_6 = arith.subi %select_n3A, %while3A_5 : i32
    %while3A_7 = arith.addi %while3A_5, %while3A_6 : i32
    %while3A_8 = arith.constant 1 : i32
    %while3A_9 = arith.divsi %while3A_6, %while3A_8 : i32
    %while3A_10 = arith.muli %while3A_9, %while3A_8 : i32
    %while3A_11 = arith.addi %while3A_5, %while3A_10 : i32
    %while3A_12 = arith.constant 1 : i32
    scf.for %while3A_15 = %while3A_5 to %while3A_11 step %while3A_12  : i32 {
      %dma_start3A = arith.constant 0 : i32
      %dma_start3A_16 = tpu.memref_slice %arg8[%while3A_15, %dma_start3A] : memref<92x128xi32, #tpu.memory_space<vmem>> -> memref<1x128xi32, #tpu.memory_space<vmem>>
      %dma_start3A_17 = tpu.memref_squeeze %dma_start3A_16 : memref<1x128xi32, #tpu.memory_space<vmem>> -> memref<128xi32, #tpu.memory_space<vmem>>
      %dma_start3A_18 = arith.constant 0 : i32
      %dma_start3A_19 = arith.constant 0 : i32
      %dma_start3A_20 = tpu.memref_slice %arg2[%dma_start3A_18, %dma_start3A_19] : memref<10112x128xf32, #tpu.memory_space<hbm>> -> memref<10112x128xf32, #tpu.memory_space<hbm>>
      tpu.enqueue_indirect_dma source(%dma_start3A_20 : memref<10112x128xf32, #tpu.memory_space<hbm>>) target(%arg10 : memref<128x128xf32, #tpu.memory_space<vmem>>) offsets(%dma_start3A_17 : memref<128xi32, #tpu.memory_space<vmem>>) semaphore(%arg11 : memref<!tpu.dma_semaphore, #tpu.memory_space<semaphore_mem>>)
      %dma_wait3A = arith.constant 0 : i32
      %dma_wait3A_21 = tpu.memref_slice %arg8[%while3A_15, %dma_wait3A] : memref<92x128xi32, #tpu.memory_space<vmem>> -> memref<1x128xi32, #tpu.memory_space<vmem>>
      %dma_wait3A_22 = tpu.memref_squeeze %dma_wait3A_21 : memref<1x128xi32, #tpu.memory_space<vmem>> -> memref<128xi32, #tpu.memory_space<vmem>>
      %dma_wait3A_23 = arith.constant 0 : i32
      %dma_wait3A_24 = arith.constant 0 : i32
      %dma_wait3A_25 = tpu.memref_slice %arg2[%dma_wait3A_23, %dma_wait3A_24] : memref<10112x128xf32, #tpu.memory_space<hbm>> -> memref<10112x128xf32, #tpu.memory_space<hbm>>
      tpu.wait_indirect_dma semaphore(%arg11 : memref<!tpu.dma_semaphore, #tpu.memory_space<semaphore_mem>>) src(%dma_wait3A_25 : memref<10112x128xf32, #tpu.memory_space<hbm>>) dst(%arg10 : memref<128x128xf32, #tpu.memory_space<vmem>>)
      "tpu.region"() ({
        %run_scoped3A = tpu.sem_alloc : memref<!tpu.dma_semaphore, #tpu.memory_space<semaphore_mem>>
        %dma_start3A_26 = arith.constant 0 : i32
        %dma_start3A_27 = tpu.memref_slice %arg9[%while3A_15, %dma_start3A_26] : memref<92x128xi32, #tpu.memory_space<vmem>> -> memref<1x128xi32, #tpu.memory_space<vmem>>
        %dma_start3A_28 = tpu.memref_squeeze %dma_start3A_27 : memref<1x128xi32, #tpu.memory_space<vmem>> -> memref<128xi32, #tpu.memory_space<vmem>>
        %dma_start3A_29 = arith.constant 0 : i32
        %dma_start3A_30 = arith.constant 0 : i32
        %dma_start3A_31 = tpu.memref_slice %arg7[%dma_start3A_29, %dma_start3A_30] : memref<10112x128xf32, #tpu.memory_space<vmem_shared>> -> memref<10112x128xf32, #tpu.memory_space<vmem_shared>>
        tpu.enqueue_indirect_dma source(%arg10 : memref<128x128xf32, #tpu.memory_space<vmem>>) target(%dma_start3A_31 : memref<10112x128xf32, #tpu.memory_space<vmem_shared>>) offsets(%dma_start3A_28 : memref<128xi32, #tpu.memory_space<vmem>>) semaphore(%run_scoped3A : memref<!tpu.dma_semaphore, #tpu.memory_space<semaphore_mem>>) {add = true}
        %dma_wait3A_32 = arith.constant 0 : i32
        %dma_wait3A_33 = tpu.memref_slice %arg9[%while3A_15, %dma_wait3A_32] : memref<92x128xi32, #tpu.memory_space<vmem>> -> memref<1x128xi32, #tpu.memory_space<vmem>>
        %dma_wait3A_34 = tpu.memref_squeeze %dma_wait3A_33 : memref<1x128xi32, #tpu.memory_space<vmem>> -> memref<128xi32, #tpu.memory_space<vmem>>
        %dma_wait3A_35 = arith.constant 0 : i32
        %dma_wait3A_36 = arith.constant 0 : i32
        %dma_wait3A_37 = tpu.memref_slice %arg7[%dma_wait3A_35, %dma_wait3A_36] : memref<10112x128xf32, #tpu.memory_space<vmem_shared>> -> memref<10112x128xf32, #tpu.memory_space<vmem_shared>>
        tpu.wait_indirect_dma semaphore(%run_scoped3A : memref<!tpu.dma_semaphore, #tpu.memory_space<semaphore_mem>>) src(%arg10 : memref<128x128xf32, #tpu.memory_space<vmem>>) dst(%dma_wait3A_37 : memref<10112x128xf32, #tpu.memory_space<vmem_shared>>)
        tpu.yield
      }) : () -> ()
    }
    %while3A_13 = arith.constant 1 : i32
    scf.for %while3A_15 = %while3A_11 to %while3A_7 step %while3A_13  : i32 {
      %dma_start3A = arith.constant 0 : i32
      %dma_start3A_16 = tpu.memref_slice %arg8[%while3A_15, %dma_start3A] : memref<92x128xi32, #tpu.memory_space<vmem>> -> memref<1x128xi32, #tpu.memory_space<vmem>>
      %dma_start3A_17 = tpu.memref_squeeze %dma_start3A_16 : memref<1x128xi32, #tpu.memory_space<vmem>> -> memref<128xi32, #tpu.memory_space<vmem>>
      %dma_start3A_18 = arith.constant 0 : i32
      %dma_start3A_19 = arith.constant 0 : i32
      %dma_start3A_20 = tpu.memref_slice %arg2[%dma_start3A_18, %dma_start3A_19] : memref<10112x128xf32, #tpu.memory_space<hbm>> -> memref<10112x128xf32, #tpu.memory_space<hbm>>
      tpu.enqueue_indirect_dma source(%dma_start3A_20 : memref<10112x128xf32, #tpu.memory_space<hbm>>) target(%arg10 : memref<128x128xf32, #tpu.memory_space<vmem>>) offsets(%dma_start3A_17 : memref<128xi32, #tpu.memory_space<vmem>>) semaphore(%arg11 : memref<!tpu.dma_semaphore, #tpu.memory_space<semaphore_mem>>)
      %dma_wait3A = arith.constant 0 : i32
      %dma_wait3A_21 = tpu.memref_slice %arg8[%while3A_15, %dma_wait3A] : memref<92x128xi32, #tpu.memory_space<vmem>> -> memref<1x128xi32, #tpu.memory_space<vmem>>
      %dma_wait3A_22 = tpu.memref_squeeze %dma_wait3A_21 : memref<1x128xi32, #tpu.memory_space<vmem>> -> memref<128xi32, #tpu.memory_space<vmem>>
      %dma_wait3A_23 = arith.constant 0 : i32
      %dma_wait3A_24 = arith.constant 0 : i32
      %dma_wait3A_25 = tpu.memref_slice %arg2[%dma_wait3A_23, %dma_wait3A_24] : memref<10112x128xf32, #tpu.memory_space<hbm>> -> memref<10112x128xf32, #tpu.memory_space<hbm>>
      tpu.wait_indirect_dma semaphore(%arg11 : memref<!tpu.dma_semaphore, #tpu.memory_space<semaphore_mem>>) src(%dma_wait3A_25 : memref<10112x128xf32, #tpu.memory_space<hbm>>) dst(%arg10 : memref<128x128xf32, #tpu.memory_space<vmem>>)
      "tpu.region"() ({
        %run_scoped3A = tpu.sem_alloc : memref<!tpu.dma_semaphore, #tpu.memory_space<semaphore_mem>>
        %dma_start3A_26 = arith.constant 0 : i32
        %dma_start3A_27 = tpu.memref_slice %arg9[%while3A_15, %dma_start3A_26] : memref<92x128xi32, #tpu.memory_space<vmem>> -> memref<1x128xi32, #tpu.memory_space<vmem>>
        %dma_start3A_28 = tpu.memref_squeeze %dma_start3A_27 : memref<1x128xi32, #tpu.memory_space<vmem>> -> memref<128xi32, #tpu.memory_space<vmem>>
        %dma_start3A_29 = arith.constant 0 : i32
        %dma_start3A_30 = arith.constant 0 : i32
        %dma_start3A_31 = tpu.memref_slice %arg7[%dma_start3A_29, %dma_start3A_30] : memref<10112x128xf32, #tpu.memory_space<vmem_shared>> -> memref<10112x128xf32, #tpu.memory_space<vmem_shared>>
        tpu.enqueue_indirect_dma source(%arg10 : memref<128x128xf32, #tpu.memory_space<vmem>>) target(%dma_start3A_31 : memref<10112x128xf32, #tpu.memory_space<vmem_shared>>) offsets(%dma_start3A_28 : memref<128xi32, #tpu.memory_space<vmem>>) semaphore(%run_scoped3A : memref<!tpu.dma_semaphore, #tpu.memory_space<semaphore_mem>>) {add = true}
        %dma_wait3A_32 = arith.constant 0 : i32
        %dma_wait3A_33 = tpu.memref_slice %arg9[%while3A_15, %dma_wait3A_32] : memref<92x128xi32, #tpu.memory_space<vmem>> -> memref<1x128xi32, #tpu.memory_space<vmem>>
        %dma_wait3A_34 = tpu.memref_squeeze %dma_wait3A_33 : memref<1x128xi32, #tpu.memory_space<vmem>> -> memref<128xi32, #tpu.memory_space<vmem>>
        %dma_wait3A_35 = arith.constant 0 : i32
        %dma_wait3A_36 = arith.constant 0 : i32
        %dma_wait3A_37 = tpu.memref_slice %arg7[%dma_wait3A_35, %dma_wait3A_36] : memref<10112x128xf32, #tpu.memory_space<vmem_shared>> -> memref<10112x128xf32, #tpu.memory_space<vmem_shared>>
        tpu.wait_indirect_dma semaphore(%run_scoped3A : memref<!tpu.dma_semaphore, #tpu.memory_space<semaphore_mem>>) src(%arg10 : memref<128x128xf32, #tpu.memory_space<vmem>>) dst(%dma_wait3A_37 : memref<10112x128xf32, #tpu.memory_space<vmem_shared>>)
        tpu.yield
      }) : () -> ()
    }
    %barrier3A_14 = arith.constant 0 : index
    tpu.barrier barrier_id(%barrier3A_14)
    "tpu.region"() ({
      %run_scoped3A = tpu.sem_alloc : memref<!tpu.dma_semaphore, #tpu.memory_space<semaphore_mem>>
      %dma_start3A = arith.constant 0 : i32
      %dma_start3A_15 = tpu.memref_slice %arg6[%arg0, %mul3A_2, %dma_start3A] : memref<2x10112x128xf32, #tpu.memory_space<hbm>> -> memref<1x632x128xf32, #tpu.memory_space<hbm>>
      %dma_start3A_16 = tpu.memref_squeeze %dma_start3A_15 : memref<1x632x128xf32, #tpu.memory_space<hbm>> -> memref<632x128xf32, #tpu.memory_space<hbm>>
      %dma_start3A_17 = arith.constant 0 : i32
      %dma_start3A_18 = tpu.memref_slice %arg7[%mul3A_2, %dma_start3A_17] : memref<10112x128xf32, #tpu.memory_space<vmem_shared>> -> memref<632x128xf32, #tpu.memory_space<vmem_shared>>
      tpu.enqueue_dma source(%dma_start3A_18 : memref<632x128xf32, #tpu.memory_space<vmem_shared>>) target(%dma_start3A_16 : memref<632x128xf32, #tpu.memory_space<hbm>>) target_semaphore(%run_scoped3A : memref<!tpu.dma_semaphore, #tpu.memory_space<semaphore_mem>>)
      %dma_wait3A = arith.constant 0 : i32
      %dma_wait3A_19 = tpu.memref_slice %arg6[%arg0, %mul3A_2, %dma_wait3A] : memref<2x10112x128xf32, #tpu.memory_space<hbm>> -> memref<1x632x128xf32, #tpu.memory_space<hbm>>
      %dma_wait3A_20 = tpu.memref_squeeze %dma_wait3A_19 : memref<1x632x128xf32, #tpu.memory_space<hbm>> -> memref<632x128xf32, #tpu.memory_space<hbm>>
      %dma_wait3A_21 = arith.constant 0 : i32
      %dma_wait3A_22 = tpu.memref_slice %arg7[%mul3A_2, %dma_wait3A_21] : memref<10112x128xf32, #tpu.memory_space<vmem_shared>> -> memref<632x128xf32, #tpu.memory_space<vmem_shared>>
      tpu.wait_dma2 semaphore(%run_scoped3A : memref<!tpu.dma_semaphore, #tpu.memory_space<semaphore_mem>>) src(%dma_wait3A_22 : memref<632x128xf32, #tpu.memory_space<vmem_shared>>) dst(%dma_wait3A_20 : memref<632x128xf32, #tpu.memory_space<hbm>>)
      tpu.yield
    }) : () -> ()
    return
  }
}

module attributes {stable_mosaic.version = 14 : i64} {
  func.func @body(%arg0: i32, %arg1: memref<2x128x128xf32, #tpu.memory_space<vmem>>, %arg2: memref<128x128xf32, #tpu.memory_space<vmem>>, %arg3: memref<128x128xf32, #tpu.memory_space<vmem>>, %arg4: memref<128x384xf32, #tpu.memory_space<vmem>>, %arg5: memref<128x384xf32, #tpu.memory_space<vmem>>, %arg6: memref<1x384xf32, #tpu.memory_space<vmem>>, %arg7: memref<1x384xf32, #tpu.memory_space<vmem>>, %arg8: memref<128x128xf32, #tpu.memory_space<vmem>>, %arg9: memref<128x128xf32, #tpu.memory_space<vmem>>) attributes {dimension_semantics = [#tpu.dimension_semantics<arbitrary>], iteration_bounds = array<i64: 79>, scalar_prefetch = 0 : i64, scratch_operands = 0 : i64, tpu.core_type = #tpu.core_type<tc>, window_params = [{transform_indices = @transform_0, window_bounds = array<i64: 2, 128, 128>}, {transform_indices = @transform_1, window_bounds = array<i64: 128, 128>}, {transform_indices = @transform_2, window_bounds = array<i64: 128, 128>}, {pipeline_mode = #tpu.pipeline_mode<synchronous>, transform_indices = @transform_3, window_bounds = array<i64: 128, 384>}, {pipeline_mode = #tpu.pipeline_mode<synchronous>, transform_indices = @transform_4, window_bounds = array<i64: 128, 384>}, {pipeline_mode = #tpu.pipeline_mode<synchronous>, transform_indices = @transform_5, window_bounds = array<i64: 1, 384>}, {pipeline_mode = #tpu.pipeline_mode<synchronous>, transform_indices = @transform_6, window_bounds = array<i64: 1, 384>}, {transform_indices = @transform_7, window_bounds = array<i64: 128, 128>}, {transform_indices = @transform_8, window_bounds = array<i64: 128, 128>}]} {
    %get3A = arith.constant 0 : index
    %get3A_0 = arith.constant 0 : index
    %get3A_1 = arith.constant 0 : index
    %get3A_2 = vector.load %arg1[%get3A, %get3A_0, %get3A_1] : memref<2x128x128xf32, #tpu.memory_space<vmem>>, vector<1x128x128xf32>
    %get3A_3 = vector.shape_cast %get3A_2 : vector<1x128x128xf32> to vector<128x128xf32>
    %get3A_4 = arith.constant 1 : index
    %get3A_5 = arith.constant 0 : index
    %get3A_6 = arith.constant 0 : index
    %get3A_7 = vector.load %arg1[%get3A_4, %get3A_5, %get3A_6] : memref<2x128x128xf32, #tpu.memory_space<vmem>>, vector<1x128x128xf32>
    %get3A_8 = vector.shape_cast %get3A_7 : vector<1x128x128xf32> to vector<128x128xf32>
    %add3A = arith.addf %get3A_3, %get3A_8 : vector<128x128xf32>
    %get3A_9 = arith.constant 0 : index
    %get3A_10 = arith.constant 0 : index
    %get3A_11 = vector.load %arg2[%get3A_9, %get3A_10] : memref<128x128xf32, #tpu.memory_space<vmem>>, vector<128x128xf32>
    %get3A_12 = arith.constant 0 : index
    %get3A_13 = arith.constant 0 : index
    %get3A_14 = vector.load %arg4[%get3A_12, %get3A_13] : memref<128x384xf32, #tpu.memory_space<vmem>>, vector<128x384xf32>
    %dot_general3A = arith.constant dense<0.000000e+00> : vector<128x384xf32>
    %dot_general3A_15 = tpu.matmul %add3A, %get3A_14, %dot_general3A {dimension_numbers = #tpu.dot_dimension_numbers<[1], [0], [0], [1], [0, 0, 1, 1], [], []>, transpose_lhs_hint = false} : vector<128x128xf32>, vector<128x384xf32>, vector<128x384xf32> -> vector<128x384xf32>
    %get3A_16 = arith.constant 0 : index
    %get3A_17 = arith.constant 0 : index
    %get3A_18 = vector.load %arg6[%get3A_16, %get3A_17] : memref<1x384xf32, #tpu.memory_space<vmem>>, vector<1x384xf32>
    %add3A_19 = vector.broadcast %get3A_18 : vector<1x384xf32> to vector<128x384xf32>
    %add3A_20 = arith.addf %dot_general3A_15, %add3A_19 : vector<128x384xf32>
    %get3A_21 = arith.constant 0 : index
    %get3A_22 = arith.constant 0 : index
    %get3A_23 = vector.load %arg5[%get3A_21, %get3A_22] : memref<128x384xf32, #tpu.memory_space<vmem>>, vector<128x384xf32>
    %dot_general3A_24 = arith.constant dense<0.000000e+00> : vector<128x384xf32>
    %dot_general3A_25 = tpu.matmul %get3A_11, %get3A_23, %dot_general3A_24 {dimension_numbers = #tpu.dot_dimension_numbers<[1], [0], [0], [1], [0, 0, 1, 1], [], []>, transpose_lhs_hint = false} : vector<128x128xf32>, vector<128x384xf32>, vector<128x384xf32> -> vector<128x384xf32>
    %get3A_26 = arith.constant 0 : index
    %get3A_27 = arith.constant 0 : index
    %get3A_28 = vector.load %arg7[%get3A_26, %get3A_27] : memref<1x384xf32, #tpu.memory_space<vmem>>, vector<1x384xf32>
    %add3A_29 = vector.broadcast %get3A_28 : vector<1x384xf32> to vector<128x384xf32>
    %add3A_30 = arith.addf %dot_general3A_25, %add3A_29 : vector<128x384xf32>
    %slice3A = vector.extract_strided_slice %add3A_20 {offsets = [0, 0], sizes = [128, 128], strides = [1, 1]} : vector<128x384xf32> to vector<128x128xf32>
    %slice3A_31 = vector.extract_strided_slice %add3A_30 {offsets = [0, 0], sizes = [128, 128], strides = [1, 1]} : vector<128x384xf32> to vector<128x128xf32>
    %add3A_32 = arith.addf %slice3A, %slice3A_31 : vector<128x128xf32>
    %logistic3A = arith.negf %add3A_32 : vector<128x128xf32>
    %logistic3A_33 = math.exp %logistic3A : vector<128x128xf32>
    %logistic3A_34 = arith.constant 1.000000e+00 : f32
    %logistic3A_35 = vector.broadcast %logistic3A_34 : f32 to vector<128x128xf32>
    %logistic3A_36 = arith.addf %logistic3A_35, %logistic3A_33 : vector<128x128xf32>
    %logistic3A_37 = arith.divf %logistic3A_35, %logistic3A_36 : vector<128x128xf32>
    %slice3A_38 = vector.extract_strided_slice %add3A_20 {offsets = [0, 128], sizes = [128, 128], strides = [1, 1]} : vector<128x384xf32> to vector<128x128xf32>
    %slice3A_39 = vector.extract_strided_slice %add3A_30 {offsets = [0, 128], sizes = [128, 128], strides = [1, 1]} : vector<128x384xf32> to vector<128x128xf32>
    %add3A_40 = arith.addf %slice3A_38, %slice3A_39 : vector<128x128xf32>
    %logistic3A_41 = arith.negf %add3A_40 : vector<128x128xf32>
    %logistic3A_42 = math.exp %logistic3A_41 : vector<128x128xf32>
    %logistic3A_43 = arith.constant 1.000000e+00 : f32
    %logistic3A_44 = vector.broadcast %logistic3A_43 : f32 to vector<128x128xf32>
    %logistic3A_45 = arith.addf %logistic3A_44, %logistic3A_42 : vector<128x128xf32>
    %logistic3A_46 = arith.divf %logistic3A_44, %logistic3A_45 : vector<128x128xf32>
    %slice3A_47 = vector.extract_strided_slice %add3A_20 {offsets = [0, 256], sizes = [128, 128], strides = [1, 1]} : vector<128x384xf32> to vector<128x128xf32>
    %slice3A_48 = vector.extract_strided_slice %add3A_30 {offsets = [0, 256], sizes = [128, 128], strides = [1, 1]} : vector<128x384xf32> to vector<128x128xf32>
    %mul3A = arith.mulf %logistic3A_37, %slice3A_48 : vector<128x128xf32>
    %add3A_49 = arith.addf %slice3A_47, %mul3A : vector<128x128xf32>
    %tanh3A = math.tanh %add3A_49 : vector<128x128xf32>
    %sub3A = arith.constant 1.000000e+00 : f32
    %sub3A_50 = vector.broadcast %sub3A : f32 to vector<128x128xf32>
    %sub3A_51 = arith.subf %sub3A_50, %logistic3A_46 : vector<128x128xf32>
    %mul3A_52 = arith.mulf %sub3A_51, %tanh3A : vector<128x128xf32>
    %mul3A_53 = arith.mulf %logistic3A_46, %get3A_11 : vector<128x128xf32>
    %add3A_54 = arith.addf %mul3A_52, %mul3A_53 : vector<128x128xf32>
    %mul3A_55 = arith.constant 128 : i32
    %mul3A_56 = arith.muli %arg0, %mul3A_55 : i32
    %iota3A = tpu.iota {dimensions = array<i32: 0>} : vector<128x1xi32>
    %add3A_57 = vector.broadcast %mul3A_56 : i32 to vector<128x1xi32>
    %add3A_58 = arith.addi %add3A_57, %iota3A : vector<128x1xi32>
    %lt3A = arith.constant 10000 : i32
    %lt3A_59 = vector.broadcast %lt3A : i32 to vector<128x1xi32>
    %lt3A_60 = arith.cmpi slt, %add3A_58, %lt3A_59 : vector<128x1xi32>
    %jit3A = arith.constant 0.000000e+00 : f32
    %broadcast_in_dim3A = vector.shape_cast %lt3A_60 : vector<128x1xi1> to vector<128x1xi1>
    %broadcast_in_dim3A_61 = vector.broadcast %broadcast_in_dim3A : vector<128x1xi1> to vector<128x128xi1>
    %broadcast_in_dim3A_62 = vector.broadcast %jit3A : f32 to vector<128x128xf32>
    %select_n3A = arith.select %broadcast_in_dim3A_61, %add3A_54, %broadcast_in_dim3A_62 : vector<128x128xi1>, vector<128x128xf32>
    %swap3A = arith.constant 0 : index
    %swap3A_63 = arith.constant 0 : index
    %swap3A_64 = vector.load %arg8[%swap3A, %swap3A_63] : memref<128x128xf32, #tpu.memory_space<vmem>>, vector<128x128xf32>
    tpu.vector_store %arg8[%swap3A, %swap3A_63], %select_n3A {strides = array<i32>} : memref<128x128xf32, #tpu.memory_space<vmem>>, vector<128x128xf32>,
    %get3A_65 = arith.constant 0 : index
    %get3A_66 = arith.constant 0 : index
    %get3A_67 = vector.load %arg3[%get3A_65, %get3A_66] : memref<128x128xf32, #tpu.memory_space<vmem>>, vector<128x128xf32>
    %add3A_68 = arith.addf %get3A_67, %select_n3A : vector<128x128xf32>
    %swap3A_69 = arith.constant 0 : index
    %swap3A_70 = arith.constant 0 : index
    %swap3A_71 = vector.load %arg9[%swap3A_69, %swap3A_70] : memref<128x128xf32, #tpu.memory_space<vmem>>, vector<128x128xf32>
    tpu.vector_store %arg9[%swap3A_69, %swap3A_70], %add3A_68 {strides = array<i32>} : memref<128x128xf32, #tpu.memory_space<vmem>>, vector<128x128xf32>,
    return
  }
  func.func @transform_0(%arg0: i32) -> (i32, i32, i32) {
    %c0_i32 = arith.constant 0 : i32
    %c0_i32_0 = arith.constant 0 : i32
    %c0_i32_1 = arith.constant 0 : i32
    return %c0_i32, %arg0, %c0_i32_0 : i32, i32, i32
  }
  func.func @transform_1(%arg0: i32) -> (i32, i32) {
    %c0_i32 = arith.constant 0 : i32
    %c0_i32_0 = arith.constant 0 : i32
    return %arg0, %c0_i32 : i32, i32
  }
  func.func @transform_2(%arg0: i32) -> (i32, i32) {
    %c0_i32 = arith.constant 0 : i32
    %c0_i32_0 = arith.constant 0 : i32
    return %arg0, %c0_i32 : i32, i32
  }
  func.func @transform_3(%arg0: i32) -> (i32, i32) {
    %c0_i32 = arith.constant 0 : i32
    %c0_i32_0 = arith.constant 0 : i32
    %c0_i32_1 = arith.constant 0 : i32
    return %c0_i32, %c0_i32_0 : i32, i32
  }
  func.func @transform_4(%arg0: i32) -> (i32, i32) {
    %c0_i32 = arith.constant 0 : i32
    %c0_i32_0 = arith.constant 0 : i32
    %c0_i32_1 = arith.constant 0 : i32
    return %c0_i32, %c0_i32_0 : i32, i32
  }
  func.func @transform_5(%arg0: i32) -> (i32, i32) {
    %c0_i32 = arith.constant 0 : i32
    %c0_i32_0 = arith.constant 0 : i32
    %c0_i32_1 = arith.constant 0 : i32
    return %c0_i32, %c0_i32_0 : i32, i32
  }
  func.func @transform_6(%arg0: i32) -> (i32, i32) {
    %c0_i32 = arith.constant 0 : i32
    %c0_i32_0 = arith.constant 0 : i32
    %c0_i32_1 = arith.constant 0 : i32
    return %c0_i32, %c0_i32_0 : i32, i32
  }
  func.func @transform_7(%arg0: i32) -> (i32, i32) {
    %c0_i32 = arith.constant 0 : i32
    %c0_i32_0 = arith.constant 0 : i32
    return %arg0, %c0_i32 : i32, i32
  }
  func.func @transform_8(%arg0: i32) -> (i32, i32) {
    %c0_i32 = arith.constant 0 : i32
    %c0_i32_0 = arith.constant 0 : i32
    return %arg0, %c0_i32 : i32, i32
  }
}

module attributes {stable_mosaic.version = 14 : i64} {
  func.func @body(%arg0: i32, %arg1: memref<2x128x128xf32, #tpu.memory_space<vmem>>, %arg2: memref<128x128xf32, #tpu.memory_space<vmem>>, %arg3: memref<128x128xf32, #tpu.memory_space<vmem>>, %arg4: memref<128x384xf32, #tpu.memory_space<vmem>>, %arg5: memref<128x384xf32, #tpu.memory_space<vmem>>, %arg6: memref<1x384xf32, #tpu.memory_space<vmem>>, %arg7: memref<1x384xf32, #tpu.memory_space<vmem>>, %arg8: memref<1x1x128xi32, #tpu.memory_space<vmem>>, %arg9: memref<64x1xf32, #tpu.memory_space<vmem>>, %arg10: memref<128x128xf32, #tpu.memory_space<vmem>>, %arg11: memref<1x128xf32, #tpu.memory_space<vmem>>, %arg12: memref<128x1xf32, #tpu.memory_space<vmem>>, %arg13: memref<1x1xf32, #tpu.memory_space<vmem>>, %arg14: memref<64x1xf32, #tpu.memory_space<vmem>>, %arg15: memref<1x1xf32, #tpu.memory_space<vmem>>, %arg16: memref<64x128xf32, #tpu.memory_space<vmem>>) attributes {dimension_semantics = [#tpu.dimension_semantics<arbitrary>], iteration_bounds = array<i64: 79>, scalar_prefetch = 0 : i64, scratch_operands = 1 : i64, tpu.core_type = #tpu.core_type<tc>, window_params = [{transform_indices = @transform_0, window_bounds = array<i64: 2, 128, 128>}, {transform_indices = @transform_1, window_bounds = array<i64: 128, 128>}, {transform_indices = @transform_2, window_bounds = array<i64: 128, 128>}, {pipeline_mode = #tpu.pipeline_mode<synchronous>, transform_indices = @transform_3, window_bounds = array<i64: 128, 384>}, {pipeline_mode = #tpu.pipeline_mode<synchronous>, transform_indices = @transform_4, window_bounds = array<i64: 128, 384>}, {pipeline_mode = #tpu.pipeline_mode<synchronous>, transform_indices = @transform_5, window_bounds = array<i64: 1, 384>}, {pipeline_mode = #tpu.pipeline_mode<synchronous>, transform_indices = @transform_6, window_bounds = array<i64: 1, 384>}, {transform_indices = @transform_7, window_bounds = array<i64: 1, 1, 128>}, {pipeline_mode = #tpu.pipeline_mode<synchronous>, transform_indices = @transform_8, window_bounds = array<i64: 64, 1>}, {pipeline_mode = #tpu.pipeline_mode<synchronous>, transform_indices = @transform_9, window_bounds = array<i64: 128, 128>}, {pipeline_mode = #tpu.pipeline_mode<synchronous>, transform_indices = @transform_10, window_bounds = array<i64: 1, 128>}, {pipeline_mode = #tpu.pipeline_mode<synchronous>, transform_indices = @transform_11, window_bounds = array<i64: 128, 1>}, {pipeline_mode = #tpu.pipeline_mode<synchronous>, transform_indices = @transform_12, window_bounds = array<i64: 1, 1>}, {pipeline_mode = #tpu.pipeline_mode<synchronous>, transform_indices = @transform_13, window_bounds = array<i64: 64, 1>}, {pipeline_mode = #tpu.pipeline_mode<synchronous>, transform_indices = @transform_14, window_bounds = array<i64: 1, 1>}]} {
    %eq3A = arith.constant 0 : i32
    %eq3A_0 = arith.cmpi eq, %arg0, %eq3A : i32
    %convert_element_type3A = arith.extui %eq3A_0 : i1 to i32
    %cond3A = arith.constant 0 : i32
    %cond3A_1 = arith.cmpi ne, %convert_element_type3A, %cond3A : i32
    scf.if %cond3A_1 {
      %broadcast_in_dim3A_92 = arith.constant 0.000000e+00 : f32
      %broadcast_in_dim3A_93 = vector.broadcast %broadcast_in_dim3A_92 : f32 to vector<64x128xf32>
      %swap3A_94 = arith.constant 0 : index
      %swap3A_95 = arith.constant 0 : index
      %swap3A_96 = vector.load %arg16[%swap3A_94, %swap3A_95] : memref<64x128xf32, #tpu.memory_space<vmem>>, vector<64x128xf32>
      tpu.vector_store %arg16[%swap3A_94, %swap3A_95], %broadcast_in_dim3A_93 {strides = array<i32>} : memref<64x128xf32, #tpu.memory_space<vmem>>, vector<64x128xf32>,
    } else {
    }
    %get3A = arith.constant 0 : index
    %get3A_2 = arith.constant 0 : index
    %get3A_3 = arith.constant 0 : index
    %get3A_4 = vector.load %arg1[%get3A, %get3A_2, %get3A_3] : memref<2x128x128xf32, #tpu.memory_space<vmem>>, vector<1x128x128xf32>
    %get3A_5 = vector.shape_cast %get3A_4 : vector<1x128x128xf32> to vector<128x128xf32>
    %get3A_6 = arith.constant 1 : index
    %get3A_7 = arith.constant 0 : index
    %get3A_8 = arith.constant 0 : index
    %get3A_9 = vector.load %arg1[%get3A_6, %get3A_7, %get3A_8] : memref<2x128x128xf32, #tpu.memory_space<vmem>>, vector<1x128x128xf32>
    %get3A_10 = vector.shape_cast %get3A_9 : vector<1x128x128xf32> to vector<128x128xf32>
    %add3A = arith.addf %get3A_5, %get3A_10 : vector<128x128xf32>
    %get3A_11 = arith.constant 0 : index
    %get3A_12 = arith.constant 0 : index
    %get3A_13 = vector.load %arg2[%get3A_11, %get3A_12] : memref<128x128xf32, #tpu.memory_space<vmem>>, vector<128x128xf32>
    %get3A_14 = arith.constant 0 : index
    %get3A_15 = arith.constant 0 : index
    %get3A_16 = vector.load %arg4[%get3A_14, %get3A_15] : memref<128x384xf32, #tpu.memory_space<vmem>>, vector<128x384xf32>
    %dot_general3A = arith.constant dense<0.000000e+00> : vector<128x384xf32>
    %dot_general3A_17 = tpu.matmul %add3A, %get3A_16, %dot_general3A {dimension_numbers = #tpu.dot_dimension_numbers<[1], [0], [0], [1], [0, 0, 1, 1], [], []>, transpose_lhs_hint = false} : vector<128x128xf32>, vector<128x384xf32>, vector<128x384xf32> -> vector<128x384xf32>
    %get3A_18 = arith.constant 0 : index
    %get3A_19 = arith.constant 0 : index
    %get3A_20 = vector.load %arg6[%get3A_18, %get3A_19] : memref<1x384xf32, #tpu.memory_space<vmem>>, vector<1x384xf32>
    %add3A_21 = vector.broadcast %get3A_20 : vector<1x384xf32> to vector<128x384xf32>
    %add3A_22 = arith.addf %dot_general3A_17, %add3A_21 : vector<128x384xf32>
    %get3A_23 = arith.constant 0 : index
    %get3A_24 = arith.constant 0 : index
    %get3A_25 = vector.load %arg5[%get3A_23, %get3A_24] : memref<128x384xf32, #tpu.memory_space<vmem>>, vector<128x384xf32>
    %dot_general3A_26 = arith.constant dense<0.000000e+00> : vector<128x384xf32>
    %dot_general3A_27 = tpu.matmul %get3A_13, %get3A_25, %dot_general3A_26 {dimension_numbers = #tpu.dot_dimension_numbers<[1], [0], [0], [1], [0, 0, 1, 1], [], []>, transpose_lhs_hint = false} : vector<128x128xf32>, vector<128x384xf32>, vector<128x384xf32> -> vector<128x384xf32>
    %get3A_28 = arith.constant 0 : index
    %get3A_29 = arith.constant 0 : index
    %get3A_30 = vector.load %arg7[%get3A_28, %get3A_29] : memref<1x384xf32, #tpu.memory_space<vmem>>, vector<1x384xf32>
    %add3A_31 = vector.broadcast %get3A_30 : vector<1x384xf32> to vector<128x384xf32>
    %add3A_32 = arith.addf %dot_general3A_27, %add3A_31 : vector<128x384xf32>
    %slice3A = vector.extract_strided_slice %add3A_22 {offsets = [0, 0], sizes = [128, 128], strides = [1, 1]} : vector<128x384xf32> to vector<128x128xf32>
    %slice3A_33 = vector.extract_strided_slice %add3A_32 {offsets = [0, 0], sizes = [128, 128], strides = [1, 1]} : vector<128x384xf32> to vector<128x128xf32>
    %add3A_34 = arith.addf %slice3A, %slice3A_33 : vector<128x128xf32>
    %logistic3A = arith.negf %add3A_34 : vector<128x128xf32>
    %logistic3A_35 = math.exp %logistic3A : vector<128x128xf32>
    %logistic3A_36 = arith.constant 1.000000e+00 : f32
    %logistic3A_37 = vector.broadcast %logistic3A_36 : f32 to vector<128x128xf32>
    %logistic3A_38 = arith.addf %logistic3A_37, %logistic3A_35 : vector<128x128xf32>
    %logistic3A_39 = arith.divf %logistic3A_37, %logistic3A_38 : vector<128x128xf32>
    %slice3A_40 = vector.extract_strided_slice %add3A_22 {offsets = [0, 128], sizes = [128, 128], strides = [1, 1]} : vector<128x384xf32> to vector<128x128xf32>
    %slice3A_41 = vector.extract_strided_slice %add3A_32 {offsets = [0, 128], sizes = [128, 128], strides = [1, 1]} : vector<128x384xf32> to vector<128x128xf32>
    %add3A_42 = arith.addf %slice3A_40, %slice3A_41 : vector<128x128xf32>
    %logistic3A_43 = arith.negf %add3A_42 : vector<128x128xf32>
    %logistic3A_44 = math.exp %logistic3A_43 : vector<128x128xf32>
    %logistic3A_45 = arith.constant 1.000000e+00 : f32
    %logistic3A_46 = vector.broadcast %logistic3A_45 : f32 to vector<128x128xf32>
    %logistic3A_47 = arith.addf %logistic3A_46, %logistic3A_44 : vector<128x128xf32>
    %logistic3A_48 = arith.divf %logistic3A_46, %logistic3A_47 : vector<128x128xf32>
    %slice3A_49 = vector.extract_strided_slice %add3A_22 {offsets = [0, 256], sizes = [128, 128], strides = [1, 1]} : vector<128x384xf32> to vector<128x128xf32>
    %slice3A_50 = vector.extract_strided_slice %add3A_32 {offsets = [0, 256], sizes = [128, 128], strides = [1, 1]} : vector<128x384xf32> to vector<128x128xf32>
    %mul3A = arith.mulf %logistic3A_39, %slice3A_50 : vector<128x128xf32>
    %add3A_51 = arith.addf %slice3A_49, %mul3A : vector<128x128xf32>
    %tanh3A = math.tanh %add3A_51 : vector<128x128xf32>
    %sub3A = arith.constant 1.000000e+00 : f32
    %sub3A_52 = vector.broadcast %sub3A : f32 to vector<128x128xf32>
    %sub3A_53 = arith.subf %sub3A_52, %logistic3A_48 : vector<128x128xf32>
    %mul3A_54 = arith.mulf %sub3A_53, %tanh3A : vector<128x128xf32>
    %mul3A_55 = arith.mulf %logistic3A_48, %get3A_13 : vector<128x128xf32>
    %add3A_56 = arith.addf %mul3A_54, %mul3A_55 : vector<128x128xf32>
    %mul3A_57 = arith.constant 128 : i32
    %mul3A_58 = arith.muli %arg0, %mul3A_57 : i32
    %iota3A = tpu.iota {dimensions = array<i32: 0>} : vector<128x1xi32>
    %add3A_59 = vector.broadcast %mul3A_58 : i32 to vector<128x1xi32>
    %add3A_60 = arith.addi %add3A_59, %iota3A : vector<128x1xi32>
    %lt3A = arith.constant 10000 : i32
    %lt3A_61 = vector.broadcast %lt3A : i32 to vector<128x1xi32>
    %lt3A_62 = arith.cmpi slt, %add3A_60, %lt3A_61 : vector<128x1xi32>
    %jit3A = arith.constant 0.000000e+00 : f32
    %broadcast_in_dim3A = vector.shape_cast %lt3A_62 : vector<128x1xi1> to vector<128x1xi1>
    %broadcast_in_dim3A_63 = vector.broadcast %broadcast_in_dim3A : vector<128x1xi1> to vector<128x128xi1>
    %broadcast_in_dim3A_64 = vector.broadcast %jit3A : f32 to vector<128x128xf32>
    %select_n3A = arith.select %broadcast_in_dim3A_63, %add3A_56, %broadcast_in_dim3A_64 : vector<128x128xi1>, vector<128x128xf32>
    %get3A_65 = arith.constant 0 : index
    %get3A_66 = arith.constant 0 : index
    %get3A_67 = vector.load %arg3[%get3A_65, %get3A_66] : memref<128x128xf32, #tpu.memory_space<vmem>>, vector<128x128xf32>
    %add3A_68 = arith.addf %get3A_67, %select_n3A : vector<128x128xf32>
    %get3A_69 = arith.constant 0 : index
    %get3A_70 = arith.constant 0 : index
    %get3A_71 = arith.constant 0 : index
    %get3A_72 = vector.load %arg8[%get3A_69, %get3A_70, %get3A_71] : memref<1x1x128xi32, #tpu.memory_space<vmem>>, vector<1x1x128xi32>
    %get3A_73 = vector.shape_cast %get3A_72 : vector<1x1x128xi32> to vector<1x128xi32>
    %iota3A_74 = tpu.iota {dimensions = array<i32: 0>} : vector<64x128xi32>
    %eq3A_75 = vector.broadcast %get3A_73 : vector<1x128xi32> to vector<64x128xi32>
    %eq3A_76 = arith.cmpi eq, %eq3A_75, %iota3A_74 : vector<64x128xi32>
    %convert_element_type3A_77 = arith.extui %eq3A_76 : vector<64x128xi1> to vector<64x128xi32>
    %convert_element_type3A_78 = arith.sitofp %convert_element_type3A_77 : vector<64x128xi32> to vector<64x128xf32>
    %get3A_79 = arith.constant 0 : index
    %get3A_80 = arith.constant 0 : index
    %get3A_81 = vector.load %arg16[%get3A_79, %get3A_80] : memref<64x128xf32, #tpu.memory_space<vmem>>, vector<64x128xf32>
    %dot_general3A_82 = arith.constant dense<0.000000e+00> : vector<64x128xf32>
    %dot_general3A_83 = tpu.matmul %convert_element_type3A_78, %add3A_68, %dot_general3A_82 {dimension_numbers = #tpu.dot_dimension_numbers<[1], [0], [0], [1], [0, 0, 1, 1], [], []>, transpose_lhs_hint = false} : vector<64x128xf32>, vector<128x128xf32>, vector<64x128xf32> -> vector<64x128xf32>
    %add3A_84 = arith.addf %get3A_81, %dot_general3A_83 : vector<64x128xf32>
    %swap3A = arith.constant 0 : index
    %swap3A_85 = arith.constant 0 : index
    %swap3A_86 = vector.load %arg16[%swap3A, %swap3A_85] : memref<64x128xf32, #tpu.memory_space<vmem>>, vector<64x128xf32>
    tpu.vector_store %arg16[%swap3A, %swap3A_85], %add3A_84 {strides = array<i32>} : memref<64x128xf32, #tpu.memory_space<vmem>>, vector<64x128xf32>,
    %eq3A_87 = arith.constant 78 : i32
    %eq3A_88 = arith.cmpi eq, %arg0, %eq3A_87 : i32
    %convert_element_type3A_89 = arith.extui %eq3A_88 : i1 to i32
    %cond3A_90 = arith.constant 0 : i32
    %cond3A_91 = arith.cmpi ne, %convert_element_type3A_89, %cond3A_90 : i32
    scf.if %cond3A_91 {
      %get3A_92 = arith.constant 0 : index
      %get3A_93 = arith.constant 0 : index
      %get3A_94 = vector.load %arg16[%get3A_92, %get3A_93] : memref<64x128xf32, #tpu.memory_space<vmem>>, vector<64x128xf32>
      %get3A_95 = arith.constant 0 : index
      %get3A_96 = arith.constant 0 : index
      %get3A_97 = vector.load %arg10[%get3A_95, %get3A_96] : memref<128x128xf32, #tpu.memory_space<vmem>>, vector<128x128xf32>
      %dot_general3A_98 = arith.constant dense<0.000000e+00> : vector<64x128xf32>
      %dot_general3A_99 = tpu.matmul %get3A_94, %get3A_97, %dot_general3A_98 {dimension_numbers = #tpu.dot_dimension_numbers<[1], [0], [0], [1], [0, 0, 1, 1], [], []>, transpose_lhs_hint = false} : vector<64x128xf32>, vector<128x128xf32>, vector<64x128xf32> -> vector<64x128xf32>
      %get3A_100 = arith.constant 0 : index
      %get3A_101 = arith.constant 0 : index
      %get3A_102 = vector.load %arg11[%get3A_100, %get3A_101] : memref<1x128xf32, #tpu.memory_space<vmem>>, vector<1x128xf32>
      %add3A_103 = vector.broadcast %get3A_102 : vector<1x128xf32> to vector<64x128xf32>
      %add3A_104 = arith.addf %dot_general3A_99, %add3A_103 : vector<64x128xf32>
      %max3A = arith.constant 0.000000e+00 : f32
      %max3A_105 = vector.broadcast %max3A : f32 to vector<64x128xf32>
      %max3A_106 = arith.maximumf %add3A_104, %max3A_105 : vector<64x128xf32>
      %get3A_107 = arith.constant 0 : index
      %get3A_108 = arith.constant 0 : index
      %get3A_109 = vector.load %arg12[%get3A_107, %get3A_108] : memref<128x1xf32, #tpu.memory_space<vmem>>, vector<128x1xf32>
      %dot_general3A_110 = arith.constant dense<0.000000e+00> : vector<64x1xf32>
      %dot_general3A_111 = tpu.matmul %max3A_106, %get3A_109, %dot_general3A_110 {dimension_numbers = #tpu.dot_dimension_numbers<[1], [0], [0], [1], [0, 0, 1, 1], [], []>, transpose_lhs_hint = false} : vector<64x128xf32>, vector<128x1xf32>, vector<64x1xf32> -> vector<64x1xf32>
      %get3A_112 = arith.constant 0 : index
      %get3A_113 = arith.constant 0 : index
      %get3A_114 = vector.load %arg13[%get3A_112, %get3A_113] : memref<1x1xf32, #tpu.memory_space<vmem>>, vector<1x1xf32>
      %add3A_115 = vector.broadcast %get3A_114 : vector<1x1xf32> to vector<64x1xf32>
      %add3A_116 = arith.addf %dot_general3A_111, %add3A_115 : vector<64x1xf32>
      %swap3A_117 = arith.constant 0 : index
      %swap3A_118 = arith.constant 0 : index
      %swap3A_119 = vector.load %arg14[%swap3A_117, %swap3A_118] : memref<64x1xf32, #tpu.memory_space<vmem>>, vector<64x1xf32>
      tpu.vector_store %arg14[%swap3A_117, %swap3A_118], %add3A_116 {strides = array<i32>} : memref<64x1xf32, #tpu.memory_space<vmem>>, vector<64x1xf32>,
      %get3A_120 = arith.constant 0 : index
      %get3A_121 = arith.constant 0 : index
      %get3A_122 = vector.load %arg9[%get3A_120, %get3A_121] : memref<64x1xf32, #tpu.memory_space<vmem>>, vector<64x1xf32>
      %max3A_123 = arith.constant 0.000000e+00 : f32
      %max3A_124 = vector.broadcast %max3A_123 : f32 to vector<64x1xf32>
      %max3A_125 = arith.maximumf %add3A_116, %max3A_124 : vector<64x1xf32>
      %mul3A_126 = arith.mulf %add3A_116, %get3A_122 : vector<64x1xf32>
      %sub3A_127 = arith.subf %max3A_125, %mul3A_126 : vector<64x1xf32>
      %abs3A = math.absf %add3A_116 : vector<64x1xf32>
      %neg3A = arith.constant 0.000000e+00 : f32
      %neg3A_128 = vector.broadcast %neg3A : f32 to vector<64x1xf32>
      %neg3A_129 = arith.subf %neg3A_128, %abs3A : vector<64x1xf32>
      %exp3A = math.exp %neg3A_129 : vector<64x1xf32>
      %log1p3A = math.log1p %exp3A : vector<64x1xf32>
      %add3A_130 = arith.addf %sub3A_127, %log1p3A : vector<64x1xf32>
      %reduce_sum3A = vector.shape_cast %add3A_130 : vector<64x1xf32> to vector<1x64x1xf32>
      %reduce_sum3A_131 = arith.constant dense<0.000000e+00> : vector<1xf32>
      %reduce_sum3A_132 = vector.multi_reduction <add>, %reduce_sum3A, %reduce_sum3A_131 [1, 2] : vector<1x64x1xf32> to vector<1xf32>
      %reduce_sum3A_133 = vector.shape_cast %reduce_sum3A_132 : vector<1xf32> to vector<1x1x1xf32>
      %reduce_sum3A_134 = vector.extract %reduce_sum3A_133[0, 0, 0] : f32 from vector<1x1x1xf32>
      %broadcast_in_dim3A_135 = vector.broadcast %reduce_sum3A_134 : f32 to vector<1x1xf32>
      %mul3A_136 = arith.constant 1.562500e-02 : f32
      %mul3A_137 = vector.broadcast %mul3A_136 : f32 to vector<1x1xf32>
      %mul3A_138 = arith.mulf %broadcast_in_dim3A_135, %mul3A_137 : vector<1x1xf32>
      %swap3A_139 = arith.constant 0 : index
      %swap3A_140 = arith.constant 0 : index
      %swap3A_141 = vector.load %arg15[%swap3A_139, %swap3A_140] : memref<1x1xf32, #tpu.memory_space<vmem>>, vector<1x1xf32>
      tpu.vector_store %arg15[%swap3A_139, %swap3A_140], %mul3A_138 {strides = array<i32>} : memref<1x1xf32, #tpu.memory_space<vmem>>, vector<1x1xf32>,
    } else {
    }
    return
  }
  func.func @transform_0(%arg0: i32) -> (i32, i32, i32) {
    %c0_i32 = arith.constant 0 : i32
    %c0_i32_0 = arith.constant 0 : i32
    %c0_i32_1 = arith.constant 0 : i32
    return %c0_i32, %arg0, %c0_i32_0 : i32, i32, i32
  }
  func.func @transform_1(%arg0: i32) -> (i32, i32) {
    %c0_i32 = arith.constant 0 : i32
    %c0_i32_0 = arith.constant 0 : i32
    return %arg0, %c0_i32 : i32, i32
  }
  func.func @transform_2(%arg0: i32) -> (i32, i32) {
    %c0_i32 = arith.constant 0 : i32
    %c0_i32_0 = arith.constant 0 : i32
    return %arg0, %c0_i32 : i32, i32
  }
  func.func @transform_3(%arg0: i32) -> (i32, i32) {
    %c0_i32 = arith.constant 0 : i32
    %c0_i32_0 = arith.constant 0 : i32
    %c0_i32_1 = arith.constant 0 : i32
    return %c0_i32, %c0_i32_0 : i32, i32
  }
  func.func @transform_4(%arg0: i32) -> (i32, i32) {
    %c0_i32 = arith.constant 0 : i32
    %c0_i32_0 = arith.constant 0 : i32
    %c0_i32_1 = arith.constant 0 : i32
    return %c0_i32, %c0_i32_0 : i32, i32
  }
  func.func @transform_5(%arg0: i32) -> (i32, i32) {
    %c0_i32 = arith.constant 0 : i32
    %c0_i32_0 = arith.constant 0 : i32
    %c0_i32_1 = arith.constant 0 : i32
    return %c0_i32, %c0_i32_0 : i32, i32
  }
  func.func @transform_6(%arg0: i32) -> (i32, i32) {
    %c0_i32 = arith.constant 0 : i32
    %c0_i32_0 = arith.constant 0 : i32
    %c0_i32_1 = arith.constant 0 : i32
    return %c0_i32, %c0_i32_0 : i32, i32
  }
  func.func @transform_7(%arg0: i32) -> (i32, i32, i32) {
    %c0_i32 = arith.constant 0 : i32
    %c0_i32_0 = arith.constant 0 : i32
    %c0_i32_1 = arith.constant 0 : i32
    return %arg0, %c0_i32, %c0_i32_0 : i32, i32, i32
  }
  func.func @transform_8(%arg0: i32) -> (i32, i32) {
    %c0_i32 = arith.constant 0 : i32
    %c0_i32_0 = arith.constant 0 : i32
    %c0_i32_1 = arith.constant 0 : i32
    return %c0_i32, %c0_i32_0 : i32, i32
  }
  func.func @transform_9(%arg0: i32) -> (i32, i32) {
    %c0_i32 = arith.constant 0 : i32
    %c0_i32_0 = arith.constant 0 : i32
    %c0_i32_1 = arith.constant 0 : i32
    return %c0_i32, %c0_i32_0 : i32, i32
  }
  func.func @transform_10(%arg0: i32) -> (i32, i32) {
    %c0_i32 = arith.constant 0 : i32
    %c0_i32_0 = arith.constant 0 : i32
    %c0_i32_1 = arith.constant 0 : i32
    return %c0_i32, %c0_i32_0 : i32, i32
  }
  func.func @transform_11(%arg0: i32) -> (i32, i32) {
    %c0_i32 = arith.constant 0 : i32
    %c0_i32_0 = arith.constant 0 : i32
    %c0_i32_1 = arith.constant 0 : i32
    return %c0_i32, %c0_i32_0 : i32, i32
  }
  func.func @transform_12(%arg0: i32) -> (i32, i32) {
    %c0_i32 = arith.constant 0 : i32
    %c0_i32_0 = arith.constant 0 : i32
    %c0_i32_1 = arith.constant 0 : i32
    return %c0_i32, %c0_i32_0 : i32, i32
  }
  func.func @transform_13(%arg0: i32) -> (i32, i32) {
    %c0_i32 = arith.constant 0 : i32
    %c0_i32_0 = arith.constant 0 : i32
    %c0_i32_1 = arith.constant 0 : i32
    return %c0_i32, %c0_i32_0 : i32, i32
  }
  func.func @transform_14(%arg0: i32) -> (i32, i32) {
    %c0_i32 = arith.constant 0 : i32
    %c0_i32_0 = arith.constant 0 : i32
    %c0_i32_1 = arith.constant 0 : i32
    return %c0_i32, %c0_i32_0 : i32, i32
  }
}

</mosaic_0001>

<sc_bundles>
// kernel: kernel.11.cloned.1.call-start
scs
__scs_entry_jumppad:
0x0: {  	(pc) =	sbr.rel $0x88, $3  }
0x1: {  	(tag) =	ssettag $0x0;
	lr =	simm.s32 $0x1  }
0x2: {  	[smem:$0x3F94] =	sst lr;
	_ =	strace $0xD0000000  }
0x3: {  	_ = 	snop  }
0x4: {  	_ = 	snop  }
0x5: {  	_ = 	snop  }
0x6: {  	_ = 	snop  }
0x7: {  	_ = 	snop  }
__scs_overlays_trampoline_lowered:
0x8: {  	[smem:$0x3FA3] =	sst s0  }
0x9: {  	[smem:$0x3FA4] =	sst s1  }
0xa: {  	[smem:$0x3FA5] =	sst s2  }
0xb: {  	[smem:$0x3FA6] =	sst s3  }
0xc: {  	[smem:$0x3FA7] =	sst s4  }
0xd: {  	[smem:$0x3FA8] =	sst s5  }
0xe: {  	[smem:$0x3FA9] =	sst s6  }
0xf: {  	[smem:$0x3FAA] =	sst s7  }
0x10: {  	[smem:$0x3FAB] =	sst s8  }
0x11: {  	[smem:$0x3FAC] =	sst s9;
	s0 =	simm.s32 @!p0 $0x0  }
0x12: {  	s1 =	sld [smem:$0x3F92];
	s0 =	simm.s32 @p0 $0x1  }
0x13: {  	[smem:$0x3FAD] =	sst s0;
	s0 =	simm.s32 @!p1 $0x0  }
0x14: {  	s2 =	sld [smem:$0x3F91];
	s0 =	simm.s32 @p1 $0x1  }
0x15: {  	[smem:$0x3FAE] =	sst s0;
	s0 =	simm.s32 @!p2 $0x0  }
0x16: {  	s3 =	sld [smem:$0x3FDB];
	s0 =	simm.s32 @p2 $0x1  }
0x17: {  	s4 =	simm.s32 $0x1BF5;
	[smem:$0x3FB0] =	sst s0  }
0x18: {  	s0 =	sld [smem:$0x3F93];
	_ =	swait.ge [sflag:s4], $0x0  }
0x19: {  	s7 =	sld [smem:$0x3F94]  }
0x1a: {  	s8 =	sadd.s32 $0xFFFFE003, lr  }
0x1b: {  	s9 =	sadd.s32 $0xFFFFFEF7, lr;
	s5 =	simm.s32 $0xFFFFFFFF;
	p2 =	slt.u32 s8, $0xFFFFF086  }
0x1c: {  	p1 =	slt.u32 s9, $0xF7A;
	s5 =	simm.s32 @!p2 $0x0  }
0x1d: {  	s5 =	simm.s32 @p1 $0x1;
	p0 =	seq.s32 s7, s2  }
0x1e: {  	s7 =	smul.u32 @!p0 $0xF7A, s2;
	p2 =	seq.s32 @!p0 s5, $0x0  }
0x1f: {  	s9 =	smul.u32 $0xF7A, s1;
	s8 =	simm.s32 @!p0 $0x1BF5;
	p2 =	por !p2, p0  }
0x20: {  	[sflag:s8] =	ssyncset.s32 @!p0 $0xFFFFF086;
	s6 =	sadd.s32 @!p0 s3, s7;
	s7 =	simm.s32 @!p0 $0x108  }
0x21: {  	s3 =	sadd.s32 s3, s9;
	s6 =	sadd.s32 @!p0 $0x88, s6;
	s7 =	simm.s32 @p2 $0x1082  }
0x22: {  	[simem:s7], [sflag:s8] =	dma.local @!p0 [hbm:s6], $0xF7A  }
0x23: {  	s9 =	sor.u32 $0xD0000000, s2;
	s6 =	simm.s32 $0x108;
	_ =	swait.ge @!p0 [sflag:s8], $0x0  }
0x24: {  	s3 =	sadd.s32 $0x88, s3;
	s6 =	simm.s32 @!p1 $0x1082;
	[sflag:s4] =	ssyncset.s32 $0xFFFFF086  }
0x25: {  	[simem:s6], [sflag:s4] =	dma.local [hbm:s3], $0xF7A  }
0x26: {  	[smem:$0x3F94] =	sst s1;
	(tag) =	ssettag s2;
	_ =	strace s9  }
0x27: {  	s1 =	sld [smem:$0x3FA4]  }
0x28: {  	s2 =	sld [smem:$0x3FA5]  }
0x29: {  	s4 =	sld [smem:$0x3FA7]  }
0x2a: {  	p0 =	seq.s32 s5, $0x0;
	s5 =	sld [smem:$0x3FA8]  }
0x2b: {  	s6 =	sld [smem:$0x3FA9]  }
0x2c: {  	s7 =	sld [smem:$0x3FAA]  }
0x2d: {  	s3 =	simm.s32 $0x108;
	s8 =	sld [smem:$0x3FAB]  }
0x2e: {  	s3 =	simm.s32 @!p0 $0x1082;
	s9 =	sld [smem:$0x3FAC]  }
0x2f: {  	lr =	sadd.s32 s0, s3;
	s0 =	sld [smem:$0x3FA3]  }
0x30: {  	s3 =	sld [smem:$0x3FA6]  }
0x31: {  	[smem:$0x3FAF] =	sst s10  }
0x32: {  	s10 =	sld [smem:$0x3FAD];
	_ =	sdelay $0x3  }
0x33: {  	p0 =	seq.s32 s10, $0x1;
	s10 =	sld [smem:$0x3FAF];
	_ =	sdelay $0x3  }
0x34: {  	[smem:$0x3FAF] =	sst s10  }
0x35: {  	s10 =	sld [smem:$0x3FAE];
	_ =	sdelay $0x3  }
0x36: {  	p1 =	seq.s32 s10, $0x1;
	s10 =	sld [smem:$0x3FAF];
	_ =	sdelay $0x3  }
0x37: {  	[smem:$0x3FAF] =	sst s10  }
0x38: {  	s10 =	sld [smem:$0x3FB0]  }
0x39: {  	_ = 	snop;
	(pc) =	sbr.ind lr, $3  }
0x3a: {  	_ = 	snop  }
0x3b: {  	_ = 	snop  }
0x3c: {  	p2 =	seq.s32 s10, $0x1;
	s10 =	sld [smem:$0x3FAF]  }
0x3d: {  	_ =	shalt  }
0x3e: {  	_ =	shalt  }
0x3f: {  	_ =	shalt  }
0x40: {  	_ =	shalt  }
0x41: {  	_ =	shalt  }
0x42: {  	_ =	shalt  }
0x43: {  	_ =	shalt  }
0x44: {  	_ =	shalt  }
0x45: {  	_ =	shalt  }
0x46: {  	_ =	shalt  }
0x47: {  	_ =	shalt  }
0x48: {  	_ =	shalt  }
0x49: {  	_ =	shalt  }
0x4a: {  	_ =	shalt  }
0x4b: {  	_ =	shalt  }
0x4c: {  	_ =	shalt  }
0x4d: {  	_ =	shalt  }
0x4e: {  	_ =	shalt  }
0x4f: {  	_ =	shalt  }
0x50: {  	_ =	shalt  }
0x51: {  	_ =	shalt  }
0x52: {  	_ =	shalt  }
0x53: {  	_ =	shalt  }
0x54: {  	_ =	shalt  }
0x55: {  	_ =	shalt  }
0x56: {  	_ =	shalt  }
0x57: {  	_ =	shalt  }
0x58: {  	_ =	shalt  }
0x59: {  	_ =	shalt  }
0x5a: {  	_ =	shalt  }
0x5b: {  	_ =	shalt  }
0x5c: {  	_ =	shalt  }
0x5d: {  	_ =	shalt  }
0x5e: {  	_ =	shalt  }
0x5f: {  	_ =	shalt  }
0x60: {  	_ =	shalt  }
0x61: {  	_ =	shalt  }
0x62: {  	_ =	shalt  }
0x63: {  	_ =	shalt  }
0x64: {  	_ =	shalt  }
0x65: {  	_ =	shalt  }
0x66: {  	_ =	shalt  }
0x67: {  	_ =	shalt  }
0x68: {  	_ =	shalt  }
0x69: {  	_ =	shalt  }
0x6a: {  	_ =	shalt  }
0x6b: {  	_ =	shalt  }
0x6c: {  	_ =	shalt  }
0x6d: {  	_ =	shalt  }
0x6e: {  	_ =	shalt  }
0x6f: {  	_ =	shalt  }
0x70: {  	_ =	shalt  }
0x71: {  	_ =	shalt  }
0x72: {  	_ =	shalt  }
0x73: {  	_ =	shalt  }
0x74: {  	_ =	shalt  }
0x75: {  	_ =	shalt  }
0x76: {  	_ =	shalt  }
0x77: {  	_ =	shalt  }
0x78: {  	_ =	shalt  }
0x79: {  	_ =	shalt  }
0x7a: {  	_ =	shalt  }
0x7b: {  	_ =	shalt  }
0x7c: {  	_ =	shalt  }
0x7d: {  	_ =	shalt  }
0x7e: {  	_ =	shalt  }
0x7f: {  	_ =	shalt  }
0x80: {  	_ =	shalt  }
0x81: {  	_ =	shalt  }
0x82: {  	_ =	shalt  }
0x83: {  	_ =	shalt  }
0x84: {  	_ =	shalt  }
0x85: {  	_ =	shalt  }
0x86: {  	_ =	shalt  }
0x87: {  	_ =	shalt  }
.Lfunc_end0:
.L_simem_size_0:
called_computation.1_lowered:
.L_overlay_start_0:
0x88: {  	s2 =	sld [smem:$0x3FD9]  }
0x89: {  	s3 =	sld [smem:$0x3FFE];
	_ =	sdelay $0x1  }
0x8a: {  	s1 =	srdreg.scid  }
0x8b: {  	s0 =	sand.u32 $0x1, s1  }
0x8c: {  	s16 =	sshll.u32 s0, $0xA;
	s2 =	sadd.s32 s3, s2  }
0x8d: {  	s2 =	sadd.s32 s2, s16  }
0x8e: {  	[smem:$0x3FBB] =	sst s2  }
0x8f: {  	_ = 	snop  }
0x90: {  	(tm) =	ssettm $0x1  }
0x91: {  	s17 =	sld [smem:$0x3FFB];
	_ =	sdelay $0x3  }
0x92: {  	_ =	strace s17  }
0x93: {  	s2 =	sld [smem:$0x3FFC];
	_ =	sdelay $0x3  }
0x94: {  	_ =	strace s2  }
0x95: {  	s2 =	sld [smem:$0x3FFD];
	_ =	sdelay $0x3  }
0x96: {  	_ =	strace s2  }
0x97: {  	_ =	strace $0x8FFFFFFF  }
0x98: {  	s18 =	sld [smem:$0x3FDB];
	_ =	sdelay $0x1  }
0x99: {  	s19 =	simm.s32 $_scs_section_size  }
0x9a: {  	s4 =	simm.s32 $_size__tile_overlayer_lowered;
	s5 =	simm.s32 $_tile_overlayer_lowered  }
0x9b: {  	s22 =	simm.s32 $0x1BFF;
	s21 =	sshll.u32 s5, $0x1;
	s2 =	sadd.s32 s19, s18  }
0x9c: {  	s6 =	simm.s32 $0x0;
	s20 =	sshll.u32 s4, $0x1;
	s4 =	sadd.s32 s21, s2  }
0x9d: {  	[timem:s6], [sflag:s22] =	dma.local [hbm:s4], s20  }
0x9e: {  	_ =	swait.ge [sflag:s22], s20  }
0x9f: {  	s3 =	ssub.s32 $0x0, s20;
	[sflag:s22] =	ssyncset.done $0x0  }
0xa0: {  	[sflag:s22] =	ssyncadd.s32 s3;
	_ =	sdelay $0x1  }
0xa1: {  	s23 =	simm.s32 $0x1B8B  }
0xa2: {  	_ =	swait.ge [sflag:s23], $0x1  }
0xa3: {  	[sflag:s23] =	ssyncset.done $0x0  }
0xa4: {  	s25 =	simm.s32 $0x1B8E;
	s24 =	sld [smem:$0x3FFE];
	[sflag:s23] =	ssyncadd.s32 $0xFFFFFFFF  }
0xa5: {  	s26 =	simm.s32 $execute0_lowered;
	[smem:$0x3FD2] =	sst s25  }
0xa6: {  	s4 =	sshll.u32 s26, $0x1;
	_ =	strace $0x80000049;
	[dreg:$0x1] =	wrdreg $0xFFFFFFFF  }
0xa7: {  	s28 =	simm.s32 $_size_execute0_lowered;
	s2 =	sadd.s32 s2, s4;
	[dreg:$0x0] =	wrdreg $0x0  }
0xa8: {  	s4 =	sshll.u32 s28, $0x1;
	[dreg:$0x2] =	wrdreg s2  }
0xa9: {  	[dreg:$0x3] =	wrdreg s4  }
0xaa: {  	[dreg:$0x4] =	wrdreg $0xC0  }
0xab: {  	_ =	task [dreg:s6], $0x5FFFF  }
0xac: {  	[dreg:$0x1] =	wrdreg $0xFFFFFFFF  }
0xad: {  	[dreg:$0x0] =	wrdreg $0x60  }
0xae: {  	[dreg:$0x2] =	wrdreg s24  }
0xaf: {  	[dreg:$0x3] =	wrdreg $0x0  }
0xb0: {  	[dreg:$0x4] =	wrdreg $0x9  }
0xb1: {  	_ =	task.clear_ibuf [dreg:s6], $0x5FFFF;
	_ =	strace $0x90000049  }
0xb2: {  	s29 =	simm.s32 $0x9;
	_ =	strace $0x8000004B  }
0xb3: {  	_ =	swait.ge [sflag:s29], $0x1  }
0xb4: {  	[sflag:s29] =	ssyncadd.s32 $0xFFFFFFFF  }
0xb5: {  	_ =	strace $0x9000004B  }
0xb6: {  	_ =	sfence  }
0xb7: {  	s30 =	sld [smem:$0x0];
	_ =	sdelay $0x2  }
0xb8: {  	s31 =	sshll.u32 s1, $0xD;
	s1 =	sshrl.u32 s1, $0x2  }
0xb9: {  	s3 =	sand.u32 $0x4000, s31;
	s1 =	sadd.s32 s1, s30  }
0xba: {  	s0 =	sor.u32 s3, s0;
	s1 =	sshll.u32 s1, $0x11  }
0xbb: {  	s0 =	sor.u32 s1, s0  }
0xbc: {  	s0 =	sadd.s32 $0x8F2B, s0  }
0xbd: {  	[sflag:s0] =	ssyncadd.remote.s32 $0x1  }
0xbe: {  	_ =	sfence.sel $0xFFFF  }
0xbf: {  	[dreg:$0x0] =	wrdreg $0xFFFFFFFF;
	(pc) =	sbr.abs _section_cstart, $3  }
0xc0: {  	[dreg:$0x1] =	wrdreg $0xFFFFFFFF  }
0xc1: {  	_ =	task.clear_ibuf [dreg:s6], $0x2FFFF;
	_ =	strace $0x9FFFFFFF  }
0xc2: {  	(tm) =	ssettm $0x7FFFFFFF  }
0xc3: {  	_ =	shalt  }
tec
execute0_lowered:
.L_overlay_start_1:
0x0: {  	(tag) =	ssettag $0x1  }
0x1: {  	s0 =	srdreg.scid;
	s6 =	rddreg [dreg:$0x0]  }
0x2: {  	s2 =	rddreg [dreg:$0x1];
	s3 =	simm.s32 $0x0;
	s15 =	simm.s32 $0x19C00  }
0x3: {  	s16 =	simm.s32 $0x1;
	s9 =	sand.u32 $0x1, s0;
	s0 =	stileid.u32  }
0x4: {  	s17 =	simm.s32 $0x0;
	[smem:$0x7FF] =	sst s3;
	s7 =	smul.u32 $0x13C000, s9  }
0x5: {  	s4 =	sadd.s32 $0x1BA00, s6;
	s1 =	sshll.u32 s9, $0x4;
	s8 =	smul.u32 $0x13C00, s0  }
0x6: {  	s28 =	ssub.s32 $0x2, s9;
	s11 =	smul.u32 $0x4F000, s0;
	s31 =	sshll.u32 s0, $0x6  }
0x7: {  	p0 =	seq.s32 s9, $0x0;
	s9 =	simm.s32 $0x5C;
	s1 =	sor.u32 s0, s1  }
0x8: {  	s29 =	sshrl.u32 s28, $0x1;
	s9 =	simm.s32 @!p0 $0x41;
	s5 =	smul.u32 $0x600, s1  }
0x9: {  	s1 =	rddreg [dreg:$0x2];
	_ =	strace $0x8000004A;
	s26 =	sadd.s32 s8, s7  }
0xa: {  	s13 =	ssub.s32 s28, s29;
	s30 =	sshrl.u32 s11, $0x2;
	s7 =	sshrl.u32 s26, $0x3  }
0xb: {  	s14 =	sadd.s32 s30, s2;
	s11 =	smax.u32 s13, $0x1;
	s13 =	simm.s32 $0x2  }
0xc: {  	s10 =	sadd.s32 s5, s6;
	s5 =	sadd.s32 $0x43200, s6;
	s12 =	sadd.s32 s7, s6  }
0xd: {  	s6 =	sor.u32 $0x1C02, s31;
	s7 =	sadd.s32 $0xFA00, s10;
	s8 =	sadd.s32 $0x3A00, s10  }
0xe: {  	s10 =	sadd.s32 $0x45A00, s12;
	s12 =	sshrl.u32 s14, $0x3;
	s14 =	simm.s32 $0x80  }
.LBB2_1:
0xf: {  	[spmem:s12], [sflag:s6] =	dma.local [hbm:s5], $0x2780  }
0x10: {  	_ =	swait.ge [sflag:s13], $0x2780  }
0x11: {  	[sflag:s13] =	ssyncset.done $0x0  }
0x12: {  	s18 =	simm.s32 $0x13C00;
	[sflag:s13] =	ssyncadd.s32 $0xFFFFD880  }
0x13: {  	[tilespmem:s18], [sflag:$0x2] =	stream.linear.gather [hbm4b:s7+s3], $0x2E00, $0x38;
	[tilespmem:$0x1DC00] =	vst v63  }
0x14: {  	_ =	swait.ge [sflag:s13], $0x2E00  }
0x15: {  	[sflag:s13] =	ssyncset.done $0x0  }
0x16: {  	s19 =	simm.s32 $0x16C00;
	[sflag:s13] =	ssyncadd.s32 $0xFFFFD200  }
0x17: {  	[tilespmem:s19], [sflag:$0x2] =	stream.linear.gather [hbm4b:s8+s3], $0x2E00, $0x38;
	[tilespmem:$0x1DC00] =	vst v63  }
0x18: {  	_ =	swait.ge [sflag:s13], $0x2E00  }
0x19: {  	[sflag:s13] =	ssyncset.done $0x0  }
0x1a: {  	[sflag:s13] =	ssyncadd.s32 $0xFFFFD200  }
0x1b: {  	[bflag:$0x0] =	sbarrier.arrive $0xFFFF  }
0x1c: {  	[tilespmem:s15], [sflag:$0x1] =	stream.indirect.gather [hbm4b:s4+s14], $0x80, s18, s14, $0xb8;
	[tilespmem:$0x1DC00] =	vst v63  }
0x1d: {  	p0 =	sne.s32 s9, $0x1;
	_ =	swait.ge [sflag:s16], $0x4000  }
.Ltmp0:
0x1e: {  	[sflag:s16] =	ssyncset.done $0x0;
	(pc) =	sbr.rel @!p0 .LBB2_3-.Ltmp0, $4  }
0x1f: {  	[sflag:s16] =	ssyncadd.s32 $0xFFFFC000  }
0x20: {  	[spmem:s2] =	stream.indirect.scatter.add.f32 [tilespmem:s15], [sflag:$0x2], $0x80, s19, s14, $0xb8;
	[tilespmem:$0x1DC00] =	vst v63  }
0x21: {  	_ =	swait.ge [sflag:s13], $0x4000  }
0x22: {  	s20 =	sadd.s32 $0xFFFFFFFF, s9;
	[sflag:s13] =	ssyncset.done $0x0  }
.LBB2_2:
0x23: {  	[sflag:s13] =	ssyncadd.s32 $0xFFFFC000;
	s18 =	sadd.s32 $0x80, s18;
	s19 =	sadd.s32 $0x80, s19  }
0x24: {  	[tilespmem:s15], [sflag:$0x1] =	stream.indirect.gather [hbm4b:s4+s14], $0x80, s18, s14, $0xb8;
	[tilespmem:$0x1DC00] =	vst v63  }
0x25: {  	p0 =	sne.s32 s20, $0x1;
	s20 =	sadd.s32 $0xFFFFFFFF, s20;
	_ =	swait.ge [sflag:s16], $0x4000  }
.Ltmp1:
0x26: {  	[sflag:s16] =	ssyncset.done $0x0;
	(pc) =	sbr.rel @p0 .LBB2_2-.Ltmp1, $4  }
0x27: {  	[sflag:s16] =	ssyncadd.s32 $0xFFFFC000  }
0x28: {  	[spmem:s2] =	stream.indirect.scatter.add.f32 [tilespmem:s15], [sflag:$0x2], $0x80, s19, s14, $0xb8;
	[tilespmem:$0x1DC00] =	vst v63  }
0x29: {  	_ =	swait.ge [sflag:s13], $0x4000  }
0x2a: {  	[sflag:s13] =	ssyncset.done $0x0  }
.LBB2_3:
0x2b: {  	s17 =	sadd.s32 $0x1, s17  }
0x2c: {  	[sflag:s13] =	ssyncadd.s32 $0xFFFFC000;
	p0 =	sne.s32 s17, s11  }
.Ltmp2:
0x2d: {  	[bflag:$0x0] =	sbarrier.arrive $0xFFFF;
	(pc) =	sbr.rel @p0 .LBB2_1-.Ltmp2, $4  }
0x2e: {  	[hbm:s10], [sflag:s6] =	dma.local [spmem:s12], $0x2780  }
0x2f: {  	_ =	swait.ge [sflag:s13], $0x2780  }
0x30: {  	[sflag:s13] =	ssyncset.done $0x0  }
0x31: {  	[sflag:s13] =	ssyncadd.s32 $0xFFFFD880  }
0x32: {  	_ =	sfence.sel $0x180000  }
0x33: {  	[bflag:$0x0] =	sbarrier.arrive $0xFFFF  }
0x34: {  	p0 =	sne.s32 s0, $0x0;
	_ =	strace $0x9000004A  }
0x35: {  	s0 =	sadd.s32 @!p0 $0x100000, s1;
	[bflag:$0x2] =	sbarrier.arrive $0xFFFF  }
0x36: {  	[sflag:s0] =	ssyncadd.tile.s32 @!p0 $0x1;
	_ =	shalt  }
.Lfunc_end2:
_tile_overlayer_lowered:
.L_overlay_start_2:
0x37: {  	(tag) =	ssettag $0x2  }
0x38: {  	s0 =	rddreg [dreg:$0x0];
	s2 =	stileid.u32  }
0x39: {  	s1 =	rddreg [dreg:$0x1];
	p0 =	sne.s32 s2, $0x0  }
0x3a: {  	s3 =	rddreg [dreg:$0x2];
	[bflag:$0x3] =	sbarrier.arrive $0xFFFF;
	s2 =	simm.s32 @!p0 $0x1C02  }
0x3b: {  	[timem:s3], [sflag:s2] =	dma.local @!p0 [hbm:s0], s1  }
0x3c: {  	s0 =	simm.s32 @!p0 $0x2  }
0x3d: {  	_ =	swait.ge @!p0 [sflag:s0], s1  }
0x3e: {  	s1 =	ssub.s32 @!p0 $0x0, s1;
	[sflag:s0] =	ssyncset.done @!p0 $0x0  }
0x3f: {  	[sflag:s0] =	ssyncadd.s32 @!p0 s1  }
0x40: {  	[bflag:$0x3] =	sbarrier.arrive $0xFFFF  }
0x41: {  	_ =	shalt  }

// kernel: kernel.14.cloned.1.call-start
scs
__scs_entry_jumppad:
0x0: {  	(pc) =	sbr.rel $0x88, $3  }
0x1: {  	(tag) =	ssettag $0x0;
	lr =	simm.s32 $0x1  }
0x2: {  	[smem:$0x3F94] =	sst lr;
	_ =	strace $0xD0000000  }
0x3: {  	_ = 	snop  }
0x4: {  	_ = 	snop  }
0x5: {  	_ = 	snop  }
0x6: {  	_ = 	snop  }
0x7: {  	_ = 	snop  }
__scs_overlays_trampoline_lowered:
0x8: {  	[smem:$0x3FA3] =	sst s0  }
0x9: {  	[smem:$0x3FA4] =	sst s1  }
0xa: {  	[smem:$0x3FA5] =	sst s2  }
0xb: {  	[smem:$0x3FA6] =	sst s3  }
0xc: {  	[smem:$0x3FA7] =	sst s4  }
0xd: {  	[smem:$0x3FA8] =	sst s5  }
0xe: {  	[smem:$0x3FA9] =	sst s6  }
0xf: {  	[smem:$0x3FAA] =	sst s7  }
0x10: {  	[smem:$0x3FAB] =	sst s8  }
0x11: {  	[smem:$0x3FAC] =	sst s9;
	s0 =	simm.s32 @!p0 $0x0  }
0x12: {  	s1 =	sld [smem:$0x3F92];
	s0 =	simm.s32 @p0 $0x1  }
0x13: {  	[smem:$0x3FAD] =	sst s0;
	s0 =	simm.s32 @!p1 $0x0  }
0x14: {  	s2 =	sld [smem:$0x3F91];
	s0 =	simm.s32 @p1 $0x1  }
0x15: {  	[smem:$0x3FAE] =	sst s0;
	s0 =	simm.s32 @!p2 $0x0  }
0x16: {  	s3 =	sld [smem:$0x3FDB];
	s0 =	simm.s32 @p2 $0x1  }
0x17: {  	s4 =	simm.s32 $0x1BF5;
	[smem:$0x3FB0] =	sst s0  }
0x18: {  	s0 =	sld [smem:$0x3F93];
	_ =	swait.ge [sflag:s4], $0x0  }
0x19: {  	s7 =	sld [smem:$0x3F94]  }
0x1a: {  	s8 =	sadd.s32 $0xFFFFE003, lr  }
0x1b: {  	s9 =	sadd.s32 $0xFFFFFEF7, lr;
	s5 =	simm.s32 $0xFFFFFFFF;
	p2 =	slt.u32 s8, $0xFFFFF086  }
0x1c: {  	p1 =	slt.u32 s9, $0xF7A;
	s5 =	simm.s32 @!p2 $0x0  }
0x1d: {  	s5 =	simm.s32 @p1 $0x1;
	p0 =	seq.s32 s7, s2  }
0x1e: {  	s7 =	smul.u32 @!p0 $0xF7A, s2;
	p2 =	seq.s32 @!p0 s5, $0x0  }
0x1f: {  	s9 =	smul.u32 $0xF7A, s1;
	s8 =	simm.s32 @!p0 $0x1BF5;
	p2 =	por !p2, p0  }
0x20: {  	[sflag:s8] =	ssyncset.s32 @!p0 $0xFFFFF086;
	s6 =	sadd.s32 @!p0 s3, s7;
	s7 =	simm.s32 @!p0 $0x108  }
0x21: {  	s3 =	sadd.s32 s3, s9;
	s6 =	sadd.s32 @!p0 $0x88, s6;
	s7 =	simm.s32 @p2 $0x1082  }
0x22: {  	[simem:s7], [sflag:s8] =	dma.local @!p0 [hbm:s6], $0xF7A  }
0x23: {  	s9 =	sor.u32 $0xD0000000, s2;
	s6 =	simm.s32 $0x108;
	_ =	swait.ge @!p0 [sflag:s8], $0x0  }
0x24: {  	s3 =	sadd.s32 $0x88, s3;
	s6 =	simm.s32 @!p1 $0x1082;
	[sflag:s4] =	ssyncset.s32 $0xFFFFF086  }
0x25: {  	[simem:s6], [sflag:s4] =	dma.local [hbm:s3], $0xF7A  }
0x26: {  	[smem:$0x3F94] =	sst s1;
	(tag) =	ssettag s2;
	_ =	strace s9  }
0x27: {  	s1 =	sld [smem:$0x3FA4]  }
0x28: {  	s2 =	sld [smem:$0x3FA5]  }
0x29: {  	s4 =	sld [smem:$0x3FA7]  }
0x2a: {  	p0 =	seq.s32 s5, $0x0;
	s5 =	sld [smem:$0x3FA8]  }
0x2b: {  	s6 =	sld [smem:$0x3FA9]  }
0x2c: {  	s7 =	sld [smem:$0x3FAA]  }
0x2d: {  	s3 =	simm.s32 $0x108;
	s8 =	sld [smem:$0x3FAB]  }
0x2e: {  	s3 =	simm.s32 @!p0 $0x1082;
	s9 =	sld [smem:$0x3FAC]  }
0x2f: {  	lr =	sadd.s32 s0, s3;
	s0 =	sld [smem:$0x3FA3]  }
0x30: {  	s3 =	sld [smem:$0x3FA6]  }
0x31: {  	[smem:$0x3FAF] =	sst s10  }
0x32: {  	s10 =	sld [smem:$0x3FAD];
	_ =	sdelay $0x3  }
0x33: {  	p0 =	seq.s32 s10, $0x1;
	s10 =	sld [smem:$0x3FAF];
	_ =	sdelay $0x3  }
0x34: {  	[smem:$0x3FAF] =	sst s10  }
0x35: {  	s10 =	sld [smem:$0x3FAE];
	_ =	sdelay $0x3  }
0x36: {  	p1 =	seq.s32 s10, $0x1;
	s10 =	sld [smem:$0x3FAF];
	_ =	sdelay $0x3  }
0x37: {  	[smem:$0x3FAF] =	sst s10  }
0x38: {  	s10 =	sld [smem:$0x3FB0]  }
0x39: {  	_ = 	snop;
	(pc) =	sbr.ind lr, $3  }
0x3a: {  	_ = 	snop  }
0x3b: {  	_ = 	snop  }
0x3c: {  	p2 =	seq.s32 s10, $0x1;
	s10 =	sld [smem:$0x3FAF]  }
0x3d: {  	_ =	shalt  }
0x3e: {  	_ =	shalt  }
0x3f: {  	_ =	shalt  }
0x40: {  	_ =	shalt  }
0x41: {  	_ =	shalt  }
0x42: {  	_ =	shalt  }
0x43: {  	_ =	shalt  }
0x44: {  	_ =	shalt  }
0x45: {  	_ =	shalt  }
0x46: {  	_ =	shalt  }
0x47: {  	_ =	shalt  }
0x48: {  	_ =	shalt  }
0x49: {  	_ =	shalt  }
0x4a: {  	_ =	shalt  }
0x4b: {  	_ =	shalt  }
0x4c: {  	_ =	shalt  }
0x4d: {  	_ =	shalt  }
0x4e: {  	_ =	shalt  }
0x4f: {  	_ =	shalt  }
0x50: {  	_ =	shalt  }
0x51: {  	_ =	shalt  }
0x52: {  	_ =	shalt  }
0x53: {  	_ =	shalt  }
0x54: {  	_ =	shalt  }
0x55: {  	_ =	shalt  }
0x56: {  	_ =	shalt  }
0x57: {  	_ =	shalt  }
0x58: {  	_ =	shalt  }
0x59: {  	_ =	shalt  }
0x5a: {  	_ =	shalt  }
0x5b: {  	_ =	shalt  }
0x5c: {  	_ =	shalt  }
0x5d: {  	_ =	shalt  }
0x5e: {  	_ =	shalt  }
0x5f: {  	_ =	shalt  }
0x60: {  	_ =	shalt  }
0x61: {  	_ =	shalt  }
0x62: {  	_ =	shalt  }
0x63: {  	_ =	shalt  }
0x64: {  	_ =	shalt  }
0x65: {  	_ =	shalt  }
0x66: {  	_ =	shalt  }
0x67: {  	_ =	shalt  }
0x68: {  	_ =	shalt  }
0x69: {  	_ =	shalt  }
0x6a: {  	_ =	shalt  }
0x6b: {  	_ =	shalt  }
0x6c: {  	_ =	shalt  }
0x6d: {  	_ =	shalt  }
0x6e: {  	_ =	shalt  }
0x6f: {  	_ =	shalt  }
0x70: {  	_ =	shalt  }
0x71: {  	_ =	shalt  }
0x72: {  	_ =	shalt  }
0x73: {  	_ =	shalt  }
0x74: {  	_ =	shalt  }
0x75: {  	_ =	shalt  }
0x76: {  	_ =	shalt  }
0x77: {  	_ =	shalt  }
0x78: {  	_ =	shalt  }
0x79: {  	_ =	shalt  }
0x7a: {  	_ =	shalt  }
0x7b: {  	_ =	shalt  }
0x7c: {  	_ =	shalt  }
0x7d: {  	_ =	shalt  }
0x7e: {  	_ =	shalt  }
0x7f: {  	_ =	shalt  }
0x80: {  	_ =	shalt  }
0x81: {  	_ =	shalt  }
0x82: {  	_ =	shalt  }
0x83: {  	_ =	shalt  }
0x84: {  	_ =	shalt  }
0x85: {  	_ =	shalt  }
0x86: {  	_ =	shalt  }
0x87: {  	_ =	shalt  }
.Lfunc_end0:
.L_simem_size_0:
called_computation.2_lowered:
.L_overlay_start_0:
0x88: {  	s2 =	sld [smem:$0x3FD9]  }
0x89: {  	s3 =	sld [smem:$0x3FFE];
	_ =	sdelay $0x1  }
0x8a: {  	s1 =	srdreg.scid  }
0x8b: {  	s0 =	sand.u32 $0x1, s1  }
0x8c: {  	s16 =	sshll.u32 s0, $0xA;
	s2 =	sadd.s32 s3, s2  }
0x8d: {  	s2 =	sadd.s32 s2, s16  }
0x8e: {  	[smem:$0x3FBB] =	sst s2  }
0x8f: {  	_ = 	snop  }
0x90: {  	(tm) =	ssettm $0x1  }
0x91: {  	s17 =	sld [smem:$0x3FFB];
	_ =	sdelay $0x3  }
0x92: {  	_ =	strace s17  }
0x93: {  	s2 =	sld [smem:$0x3FFC];
	_ =	sdelay $0x3  }
0x94: {  	_ =	strace s2  }
0x95: {  	s2 =	sld [smem:$0x3FFD];
	_ =	sdelay $0x3  }
0x96: {  	_ =	strace s2  }
0x97: {  	_ =	strace $0x8FFFFFFF  }
0x98: {  	s18 =	sld [smem:$0x3FDB];
	_ =	sdelay $0x1  }
0x99: {  	s19 =	simm.s32 $_scs_section_size  }
0x9a: {  	s4 =	simm.s32 $_size__tile_overlayer_lowered;
	s5 =	simm.s32 $_tile_overlayer_lowered  }
0x9b: {  	s22 =	simm.s32 $0x1BFF;
	s21 =	sshll.u32 s5, $0x1;
	s2 =	sadd.s32 s19, s18  }
0x9c: {  	s6 =	simm.s32 $0x0;
	s20 =	sshll.u32 s4, $0x1;
	s4 =	sadd.s32 s21, s2  }
0x9d: {  	[timem:s6], [sflag:s22] =	dma.local [hbm:s4], s20  }
0x9e: {  	_ =	swait.ge [sflag:s22], s20  }
0x9f: {  	s3 =	ssub.s32 $0x0, s20;
	[sflag:s22] =	ssyncset.done $0x0  }
0xa0: {  	[sflag:s22] =	ssyncadd.s32 s3;
	_ =	sdelay $0x1  }
0xa1: {  	s23 =	simm.s32 $0x1B8B  }
0xa2: {  	_ =	swait.ge [sflag:s23], $0x1  }
0xa3: {  	[sflag:s23] =	ssyncset.done $0x0  }
0xa4: {  	s25 =	simm.s32 $0x1B8E;
	s24 =	sld [smem:$0x3FFE];
	[sflag:s23] =	ssyncadd.s32 $0xFFFFFFFF  }
0xa5: {  	s26 =	simm.s32 $execute0_lowered;
	[smem:$0x3FD2] =	sst s25  }
0xa6: {  	s4 =	sshll.u32 s26, $0x1;
	_ =	strace $0x8000004C;
	[dreg:$0x1] =	wrdreg $0xFFFFFFFF  }
0xa7: {  	s28 =	simm.s32 $_size_execute0_lowered;
	s2 =	sadd.s32 s2, s4;
	[dreg:$0x0] =	wrdreg $0x0  }
0xa8: {  	s4 =	sshll.u32 s28, $0x1;
	[dreg:$0x2] =	wrdreg s2  }
0xa9: {  	[dreg:$0x3] =	wrdreg s4  }
0xaa: {  	[dreg:$0x4] =	wrdreg $0xC0  }
0xab: {  	_ =	task [dreg:s6], $0x5FFFF  }
0xac: {  	[dreg:$0x1] =	wrdreg $0xFFFFFFFF  }
0xad: {  	[dreg:$0x0] =	wrdreg $0x60  }
0xae: {  	[dreg:$0x2] =	wrdreg s24  }
0xaf: {  	[dreg:$0x3] =	wrdreg $0x0  }
0xb0: {  	[dreg:$0x4] =	wrdreg $0x9  }
0xb1: {  	_ =	task.clear_ibuf [dreg:s6], $0x5FFFF;
	_ =	strace $0x9000004C  }
0xb2: {  	s29 =	simm.s32 $0x9;
	_ =	strace $0x8000004E  }
0xb3: {  	_ =	swait.ge [sflag:s29], $0x1  }
0xb4: {  	[sflag:s29] =	ssyncadd.s32 $0xFFFFFFFF  }
0xb5: {  	_ =	strace $0x9000004E  }
0xb6: {  	_ =	sfence  }
0xb7: {  	s30 =	sld [smem:$0x0];
	_ =	sdelay $0x2  }
0xb8: {  	s31 =	sshll.u32 s1, $0xD;
	s1 =	sshrl.u32 s1, $0x2  }
0xb9: {  	s3 =	sand.u32 $0x4000, s31;
	s1 =	sadd.s32 s1, s30  }
0xba: {  	s0 =	sor.u32 s3, s0;
	s1 =	sshll.u32 s1, $0x11  }
0xbb: {  	s0 =	sor.u32 s1, s0  }
0xbc: {  	s0 =	sadd.s32 $0x8F2B, s0  }
0xbd: {  	[sflag:s0] =	ssyncadd.remote.s32 $0x1  }
0xbe: {  	_ =	sfence.sel $0xFFFF  }
0xbf: {  	[dreg:$0x0] =	wrdreg $0xFFFFFFFF;
	(pc) =	sbr.abs _section_cstart, $3  }
0xc0: {  	[dreg:$0x1] =	wrdreg $0xFFFFFFFF  }
0xc1: {  	_ =	task.clear_ibuf [dreg:s6], $0x2FFFF;
	_ =	strace $0x9FFFFFFF  }
0xc2: {  	(tm) =	ssettm $0x7FFFFFFF  }
0xc3: {  	_ =	shalt  }
tec
execute0_lowered:
.L_overlay_start_1:
0x0: {  	(tag) =	ssettag $0x1  }
0x1: {  	s0 =	srdreg.scid;
	s6 =	rddreg [dreg:$0x0]  }
0x2: {  	s2 =	rddreg [dreg:$0x1];
	s3 =	simm.s32 $0x0;
	s15 =	simm.s32 $0x19C00  }
0x3: {  	s16 =	simm.s32 $0x1;
	s9 =	sand.u32 $0x1, s0;
	s0 =	stileid.u32  }
0x4: {  	s17 =	simm.s32 $0x0;
	[smem:$0x7FF] =	sst s3;
	s7 =	smul.u32 $0x13C000, s9  }
0x5: {  	s4 =	sadd.s32 $0x1BA00, s6;
	s1 =	sshll.u32 s9, $0x4;
	s8 =	smul.u32 $0x13C00, s0  }
0x6: {  	s28 =	ssub.s32 $0x2, s9;
	s11 =	smul.u32 $0x4F000, s0;
	s31 =	sshll.u32 s0, $0x6  }
0x7: {  	p0 =	seq.s32 s9, $0x0;
	s9 =	simm.s32 $0x5C;
	s1 =	sor.u32 s0, s1  }
0x8: {  	s29 =	sshrl.u32 s28, $0x1;
	s9 =	simm.s32 @!p0 $0x41;
	s5 =	smul.u32 $0x600, s1  }
0x9: {  	s1 =	rddreg [dreg:$0x2];
	_ =	strace $0x8000004D;
	s26 =	sadd.s32 s8, s7  }
0xa: {  	s13 =	ssub.s32 s28, s29;
	s30 =	sshrl.u32 s11, $0x2;
	s7 =	sshrl.u32 s26, $0x3  }
0xb: {  	s14 =	sadd.s32 s30, s2;
	s11 =	smax.u32 s13, $0x1;
	s13 =	simm.s32 $0x2  }
0xc: {  	s10 =	sadd.s32 s5, s6;
	s5 =	sadd.s32 $0x43200, s6;
	s12 =	sadd.s32 s7, s6  }
0xd: {  	s6 =	sor.u32 $0x1C02, s31;
	s7 =	sadd.s32 $0xFA00, s10;
	s8 =	sadd.s32 $0x3A00, s10  }
0xe: {  	s10 =	sadd.s32 $0x45A00, s12;
	s12 =	sshrl.u32 s14, $0x3;
	s14 =	simm.s32 $0x80  }
.LBB2_1:
0xf: {  	[spmem:s12], [sflag:s6] =	dma.local [hbm:s5], $0x2780  }
0x10: {  	_ =	swait.ge [sflag:s13], $0x2780  }
0x11: {  	[sflag:s13] =	ssyncset.done $0x0  }
0x12: {  	s18 =	simm.s32 $0x13C00;
	[sflag:s13] =	ssyncadd.s32 $0xFFFFD880  }
0x13: {  	[tilespmem:s18], [sflag:$0x2] =	stream.linear.gather [hbm4b:s7+s3], $0x2E00, $0x38;
	[tilespmem:$0x1DC00] =	vst v63  }
0x14: {  	_ =	swait.ge [sflag:s13], $0x2E00  }
0x15: {  	[sflag:s13] =	ssyncset.done $0x0  }
0x16: {  	s19 =	simm.s32 $0x16C00;
	[sflag:s13] =	ssyncadd.s32 $0xFFFFD200  }
0x17: {  	[tilespmem:s19], [sflag:$0x2] =	stream.linear.gather [hbm4b:s8+s3], $0x2E00, $0x38;
	[tilespmem:$0x1DC00] =	vst v63  }
0x18: {  	_ =	swait.ge [sflag:s13], $0x2E00  }
0x19: {  	[sflag:s13] =	ssyncset.done $0x0  }
0x1a: {  	[sflag:s13] =	ssyncadd.s32 $0xFFFFD200  }
0x1b: {  	[bflag:$0x0] =	sbarrier.arrive $0xFFFF  }
0x1c: {  	[tilespmem:s15], [sflag:$0x1] =	stream.indirect.gather [hbm4b:s4+s14], $0x80, s18, s14, $0xb8;
	[tilespmem:$0x1DC00] =	vst v63  }
0x1d: {  	p0 =	sne.s32 s9, $0x1;
	_ =	swait.ge [sflag:s16], $0x4000  }
.Ltmp0:
0x1e: {  	[sflag:s16] =	ssyncset.done $0x0;
	(pc) =	sbr.rel @!p0 .LBB2_3-.Ltmp0, $4  }
0x1f: {  	[sflag:s16] =	ssyncadd.s32 $0xFFFFC000  }
0x20: {  	[spmem:s2] =	stream.indirect.scatter.add.f32 [tilespmem:s15], [sflag:$0x2], $0x80, s19, s14, $0xb8;
	[tilespmem:$0x1DC00] =	vst v63  }
0x21: {  	_ =	swait.ge [sflag:s13], $0x4000  }
0x22: {  	s20 =	sadd.s32 $0xFFFFFFFF, s9;
	[sflag:s13] =	ssyncset.done $0x0  }
.LBB2_2:
0x23: {  	[sflag:s13] =	ssyncadd.s32 $0xFFFFC000;
	s18 =	sadd.s32 $0x80, s18;
	s19 =	sadd.s32 $0x80, s19  }
0x24: {  	[tilespmem:s15], [sflag:$0x1] =	stream.indirect.gather [hbm4b:s4+s14], $0x80, s18, s14, $0xb8;
	[tilespmem:$0x1DC00] =	vst v63  }
0x25: {  	p0 =	sne.s32 s20, $0x1;
	s20 =	sadd.s32 $0xFFFFFFFF, s20;
	_ =	swait.ge [sflag:s16], $0x4000  }
.Ltmp1:
0x26: {  	[sflag:s16] =	ssyncset.done $0x0;
	(pc) =	sbr.rel @p0 .LBB2_2-.Ltmp1, $4  }
0x27: {  	[sflag:s16] =	ssyncadd.s32 $0xFFFFC000  }
0x28: {  	[spmem:s2] =	stream.indirect.scatter.add.f32 [tilespmem:s15], [sflag:$0x2], $0x80, s19, s14, $0xb8;
	[tilespmem:$0x1DC00] =	vst v63  }
0x29: {  	_ =	swait.ge [sflag:s13], $0x4000  }
0x2a: {  	[sflag:s13] =	ssyncset.done $0x0  }
.LBB2_3:
0x2b: {  	s17 =	sadd.s32 $0x1, s17  }
0x2c: {  	[sflag:s13] =	ssyncadd.s32 $0xFFFFC000;
	p0 =	sne.s32 s17, s11  }
.Ltmp2:
0x2d: {  	[bflag:$0x0] =	sbarrier.arrive $0xFFFF;
	(pc) =	sbr.rel @p0 .LBB2_1-.Ltmp2, $4  }
0x2e: {  	[hbm:s10], [sflag:s6] =	dma.local [spmem:s12], $0x2780  }
0x2f: {  	_ =	swait.ge [sflag:s13], $0x2780  }
0x30: {  	[sflag:s13] =	ssyncset.done $0x0  }
0x31: {  	[sflag:s13] =	ssyncadd.s32 $0xFFFFD880  }
0x32: {  	_ =	sfence.sel $0x180000  }
0x33: {  	[bflag:$0x0] =	sbarrier.arrive $0xFFFF  }
0x34: {  	p0 =	sne.s32 s0, $0x0;
	_ =	strace $0x9000004D  }
0x35: {  	s0 =	sadd.s32 @!p0 $0x100000, s1;
	[bflag:$0x2] =	sbarrier.arrive $0xFFFF  }
0x36: {  	[sflag:s0] =	ssyncadd.tile.s32 @!p0 $0x1;
	_ =	shalt  }
.Lfunc_end2:
_tile_overlayer_lowered:
.L_overlay_start_2:
0x37: {  	(tag) =	ssettag $0x2  }
0x38: {  	s0 =	rddreg [dreg:$0x0];
	s2 =	stileid.u32  }
0x39: {  	s1 =	rddreg [dreg:$0x1];
	p0 =	sne.s32 s2, $0x0  }
0x3a: {  	s3 =	rddreg [dreg:$0x2];
	[bflag:$0x3] =	sbarrier.arrive $0xFFFF;
	s2 =	simm.s32 @!p0 $0x1C02  }
0x3b: {  	[timem:s3], [sflag:s2] =	dma.local @!p0 [hbm:s0], s1  }
0x3c: {  	s0 =	simm.s32 @!p0 $0x2  }
0x3d: {  	_ =	swait.ge @!p0 [sflag:s0], s1  }
0x3e: {  	s1 =	ssub.s32 @!p0 $0x0, s1;
	[sflag:s0] =	ssyncset.done @!p0 $0x0  }
0x3f: {  	[sflag:s0] =	ssyncadd.s32 @!p0 s1  }
0x40: {  	[bflag:$0x3] =	sbarrier.arrive $0xFFFF  }
0x41: {  	_ =	shalt  }

// kernel: kernel.8.cloned.1.call-start
scs
__scs_entry_jumppad:
0x0: {  	(pc) =	sbr.rel $0x88, $3  }
0x1: {  	(tag) =	ssettag $0x0;
	lr =	simm.s32 $0x1  }
0x2: {  	[smem:$0x3F94] =	sst lr;
	_ =	strace $0xD0000000  }
0x3: {  	_ = 	snop  }
0x4: {  	_ = 	snop  }
0x5: {  	_ = 	snop  }
0x6: {  	_ = 	snop  }
0x7: {  	_ = 	snop  }
__scs_overlays_trampoline_lowered:
0x8: {  	[smem:$0x3FA3] =	sst s0  }
0x9: {  	[smem:$0x3FA4] =	sst s1  }
0xa: {  	[smem:$0x3FA5] =	sst s2  }
0xb: {  	[smem:$0x3FA6] =	sst s3  }
0xc: {  	[smem:$0x3FA7] =	sst s4  }
0xd: {  	[smem:$0x3FA8] =	sst s5  }
0xe: {  	[smem:$0x3FA9] =	sst s6  }
0xf: {  	[smem:$0x3FAA] =	sst s7  }
0x10: {  	[smem:$0x3FAB] =	sst s8  }
0x11: {  	[smem:$0x3FAC] =	sst s9;
	s0 =	simm.s32 @!p0 $0x0  }
0x12: {  	s1 =	sld [smem:$0x3F92];
	s0 =	simm.s32 @p0 $0x1  }
0x13: {  	[smem:$0x3FAD] =	sst s0;
	s0 =	simm.s32 @!p1 $0x0  }
0x14: {  	s2 =	sld [smem:$0x3F91];
	s0 =	simm.s32 @p1 $0x1  }
0x15: {  	[smem:$0x3FAE] =	sst s0;
	s0 =	simm.s32 @!p2 $0x0  }
0x16: {  	s3 =	sld [smem:$0x3FDB];
	s0 =	simm.s32 @p2 $0x1  }
0x17: {  	s4 =	simm.s32 $0x1BF5;
	[smem:$0x3FB0] =	sst s0  }
0x18: {  	s0 =	sld [smem:$0x3F93];
	_ =	swait.ge [sflag:s4], $0x0  }
0x19: {  	s7 =	sld [smem:$0x3F94]  }
0x1a: {  	s8 =	sadd.s32 $0xFFFFE003, lr  }
0x1b: {  	s9 =	sadd.s32 $0xFFFFFEF7, lr;
	s5 =	simm.s32 $0xFFFFFFFF;
	p2 =	slt.u32 s8, $0xFFFFF086  }
0x1c: {  	p1 =	slt.u32 s9, $0xF7A;
	s5 =	simm.s32 @!p2 $0x0  }
0x1d: {  	s5 =	simm.s32 @p1 $0x1;
	p0 =	seq.s32 s7, s2  }
0x1e: {  	s7 =	smul.u32 @!p0 $0xF7A, s2;
	p2 =	seq.s32 @!p0 s5, $0x0  }
0x1f: {  	s9 =	smul.u32 $0xF7A, s1;
	s8 =	simm.s32 @!p0 $0x1BF5;
	p2 =	por !p2, p0  }
0x20: {  	[sflag:s8] =	ssyncset.s32 @!p0 $0xFFFFF086;
	s6 =	sadd.s32 @!p0 s3, s7;
	s7 =	simm.s32 @!p0 $0x108  }
0x21: {  	s3 =	sadd.s32 s3, s9;
	s6 =	sadd.s32 @!p0 $0x88, s6;
	s7 =	simm.s32 @p2 $0x1082  }
0x22: {  	[simem:s7], [sflag:s8] =	dma.local @!p0 [hbm:s6], $0xF7A  }
0x23: {  	s9 =	sor.u32 $0xD0000000, s2;
	s6 =	simm.s32 $0x108;
	_ =	swait.ge @!p0 [sflag:s8], $0x0  }
0x24: {  	s3 =	sadd.s32 $0x88, s3;
	s6 =	simm.s32 @!p1 $0x1082;
	[sflag:s4] =	ssyncset.s32 $0xFFFFF086  }
0x25: {  	[simem:s6], [sflag:s4] =	dma.local [hbm:s3], $0xF7A  }
0x26: {  	[smem:$0x3F94] =	sst s1;
	(tag) =	ssettag s2;
	_ =	strace s9  }
0x27: {  	s1 =	sld [smem:$0x3FA4]  }
0x28: {  	s2 =	sld [smem:$0x3FA5]  }
0x29: {  	s4 =	sld [smem:$0x3FA7]  }
0x2a: {  	p0 =	seq.s32 s5, $0x0;
	s5 =	sld [smem:$0x3FA8]  }
0x2b: {  	s6 =	sld [smem:$0x3FA9]  }
0x2c: {  	s7 =	sld [smem:$0x3FAA]  }
0x2d: {  	s3 =	simm.s32 $0x108;
	s8 =	sld [smem:$0x3FAB]  }
0x2e: {  	s3 =	simm.s32 @!p0 $0x1082;
	s9 =	sld [smem:$0x3FAC]  }
0x2f: {  	lr =	sadd.s32 s0, s3;
	s0 =	sld [smem:$0x3FA3]  }
0x30: {  	s3 =	sld [smem:$0x3FA6]  }
0x31: {  	[smem:$0x3FAF] =	sst s10  }
0x32: {  	s10 =	sld [smem:$0x3FAD];
	_ =	sdelay $0x3  }
0x33: {  	p0 =	seq.s32 s10, $0x1;
	s10 =	sld [smem:$0x3FAF];
	_ =	sdelay $0x3  }
0x34: {  	[smem:$0x3FAF] =	sst s10  }
0x35: {  	s10 =	sld [smem:$0x3FAE];
	_ =	sdelay $0x3  }
0x36: {  	p1 =	seq.s32 s10, $0x1;
	s10 =	sld [smem:$0x3FAF];
	_ =	sdelay $0x3  }
0x37: {  	[smem:$0x3FAF] =	sst s10  }
0x38: {  	s10 =	sld [smem:$0x3FB0]  }
0x39: {  	_ = 	snop;
	(pc) =	sbr.ind lr, $3  }
0x3a: {  	_ = 	snop  }
0x3b: {  	_ = 	snop  }
0x3c: {  	p2 =	seq.s32 s10, $0x1;
	s10 =	sld [smem:$0x3FAF]  }
0x3d: {  	_ =	shalt  }
0x3e: {  	_ =	shalt  }
0x3f: {  	_ =	shalt  }
0x40: {  	_ =	shalt  }
0x41: {  	_ =	shalt  }
0x42: {  	_ =	shalt  }
0x43: {  	_ =	shalt  }
0x44: {  	_ =	shalt  }
0x45: {  	_ =	shalt  }
0x46: {  	_ =	shalt  }
0x47: {  	_ =	shalt  }
0x48: {  	_ =	shalt  }
0x49: {  	_ =	shalt  }
0x4a: {  	_ =	shalt  }
0x4b: {  	_ =	shalt  }
0x4c: {  	_ =	shalt  }
0x4d: {  	_ =	shalt  }
0x4e: {  	_ =	shalt  }
0x4f: {  	_ =	shalt  }
0x50: {  	_ =	shalt  }
0x51: {  	_ =	shalt  }
0x52: {  	_ =	shalt  }
0x53: {  	_ =	shalt  }
0x54: {  	_ =	shalt  }
0x55: {  	_ =	shalt  }
0x56: {  	_ =	shalt  }
0x57: {  	_ =	shalt  }
0x58: {  	_ =	shalt  }
0x59: {  	_ =	shalt  }
0x5a: {  	_ =	shalt  }
0x5b: {  	_ =	shalt  }
0x5c: {  	_ =	shalt  }
0x5d: {  	_ =	shalt  }
0x5e: {  	_ =	shalt  }
0x5f: {  	_ =	shalt  }
0x60: {  	_ =	shalt  }
0x61: {  	_ =	shalt  }
0x62: {  	_ =	shalt  }
0x63: {  	_ =	shalt  }
0x64: {  	_ =	shalt  }
0x65: {  	_ =	shalt  }
0x66: {  	_ =	shalt  }
0x67: {  	_ =	shalt  }
0x68: {  	_ =	shalt  }
0x69: {  	_ =	shalt  }
0x6a: {  	_ =	shalt  }
0x6b: {  	_ =	shalt  }
0x6c: {  	_ =	shalt  }
0x6d: {  	_ =	shalt  }
0x6e: {  	_ =	shalt  }
0x6f: {  	_ =	shalt  }
0x70: {  	_ =	shalt  }
0x71: {  	_ =	shalt  }
0x72: {  	_ =	shalt  }
0x73: {  	_ =	shalt  }
0x74: {  	_ =	shalt  }
0x75: {  	_ =	shalt  }
0x76: {  	_ =	shalt  }
0x77: {  	_ =	shalt  }
0x78: {  	_ =	shalt  }
0x79: {  	_ =	shalt  }
0x7a: {  	_ =	shalt  }
0x7b: {  	_ =	shalt  }
0x7c: {  	_ =	shalt  }
0x7d: {  	_ =	shalt  }
0x7e: {  	_ =	shalt  }
0x7f: {  	_ =	shalt  }
0x80: {  	_ =	shalt  }
0x81: {  	_ =	shalt  }
0x82: {  	_ =	shalt  }
0x83: {  	_ =	shalt  }
0x84: {  	_ =	shalt  }
0x85: {  	_ =	shalt  }
0x86: {  	_ =	shalt  }
0x87: {  	_ =	shalt  }
.Lfunc_end0:
.L_simem_size_0:
called_computation_lowered:
.L_overlay_start_0:
0x88: {  	s2 =	sld [smem:$0x3FD9]  }
0x89: {  	s3 =	sld [smem:$0x3FFE];
	_ =	sdelay $0x1  }
0x8a: {  	s1 =	srdreg.scid  }
0x8b: {  	s0 =	sand.u32 $0x1, s1  }
0x8c: {  	s16 =	sshll.u32 s0, $0xA;
	s2 =	sadd.s32 s3, s2  }
0x8d: {  	s2 =	sadd.s32 s2, s16  }
0x8e: {  	[smem:$0x3FBB] =	sst s2  }
0x8f: {  	_ = 	snop  }
0x90: {  	(tm) =	ssettm $0x1  }
0x91: {  	s17 =	sld [smem:$0x3FFB];
	_ =	sdelay $0x3  }
0x92: {  	_ =	strace s17  }
0x93: {  	s2 =	sld [smem:$0x3FFC];
	_ =	sdelay $0x3  }
0x94: {  	_ =	strace s2  }
0x95: {  	s2 =	sld [smem:$0x3FFD];
	_ =	sdelay $0x3  }
0x96: {  	_ =	strace s2  }
0x97: {  	_ =	strace $0x8FFFFFFF  }
0x98: {  	s18 =	sld [smem:$0x3FDB];
	_ =	sdelay $0x1  }
0x99: {  	s19 =	simm.s32 $_scs_section_size  }
0x9a: {  	s4 =	simm.s32 $_size__tile_overlayer_lowered;
	s5 =	simm.s32 $_tile_overlayer_lowered  }
0x9b: {  	s22 =	simm.s32 $0x1BFF;
	s21 =	sshll.u32 s5, $0x1;
	s2 =	sadd.s32 s19, s18  }
0x9c: {  	s6 =	simm.s32 $0x0;
	s20 =	sshll.u32 s4, $0x1;
	s4 =	sadd.s32 s21, s2  }
0x9d: {  	[timem:s6], [sflag:s22] =	dma.local [hbm:s4], s20  }
0x9e: {  	_ =	swait.ge [sflag:s22], s20  }
0x9f: {  	s3 =	ssub.s32 $0x0, s20;
	[sflag:s22] =	ssyncset.done $0x0  }
0xa0: {  	[sflag:s22] =	ssyncadd.s32 s3;
	_ =	sdelay $0x1  }
0xa1: {  	s23 =	simm.s32 $0x1B8B  }
0xa2: {  	_ =	swait.ge [sflag:s23], $0x1  }
0xa3: {  	[sflag:s23] =	ssyncset.done $0x0  }
0xa4: {  	s25 =	simm.s32 $0x1B8E;
	s24 =	sld [smem:$0x3FFE];
	[sflag:s23] =	ssyncadd.s32 $0xFFFFFFFF  }
0xa5: {  	s26 =	simm.s32 $execute0_lowered;
	[smem:$0x3FD2] =	sst s25  }
0xa6: {  	s4 =	sshll.u32 s26, $0x1;
	_ =	strace $0x80000046;
	[dreg:$0x1] =	wrdreg $0xFFFFFFFF  }
0xa7: {  	s28 =	simm.s32 $_size_execute0_lowered;
	s2 =	sadd.s32 s2, s4;
	[dreg:$0x0] =	wrdreg $0x0  }
0xa8: {  	s4 =	sshll.u32 s28, $0x1;
	[dreg:$0x2] =	wrdreg s2  }
0xa9: {  	[dreg:$0x3] =	wrdreg s4  }
0xaa: {  	[dreg:$0x4] =	wrdreg $0xC0  }
0xab: {  	_ =	task [dreg:s6], $0x5FFFF  }
0xac: {  	[dreg:$0x1] =	wrdreg $0xFFFFFFFF  }
0xad: {  	[dreg:$0x0] =	wrdreg $0x60  }
0xae: {  	[dreg:$0x2] =	wrdreg s24  }
0xaf: {  	[dreg:$0x3] =	wrdreg $0x0  }
0xb0: {  	[dreg:$0x4] =	wrdreg $0x9  }
0xb1: {  	_ =	task.clear_ibuf [dreg:s6], $0x5FFFF;
	_ =	strace $0x90000046  }
0xb2: {  	s29 =	simm.s32 $0x9;
	_ =	strace $0x80000048  }
0xb3: {  	_ =	swait.ge [sflag:s29], $0x1  }
0xb4: {  	[sflag:s29] =	ssyncadd.s32 $0xFFFFFFFF  }
0xb5: {  	_ =	strace $0x90000048  }
0xb6: {  	_ =	sfence  }
0xb7: {  	s30 =	sld [smem:$0x0];
	_ =	sdelay $0x2  }
0xb8: {  	s31 =	sshll.u32 s1, $0xD;
	s1 =	sshrl.u32 s1, $0x2  }
0xb9: {  	s3 =	sand.u32 $0x4000, s31;
	s1 =	sadd.s32 s1, s30  }
0xba: {  	s0 =	sor.u32 s3, s0;
	s1 =	sshll.u32 s1, $0x11  }
0xbb: {  	s0 =	sor.u32 s1, s0  }
0xbc: {  	s0 =	sadd.s32 $0x8F2B, s0  }
0xbd: {  	[sflag:s0] =	ssyncadd.remote.s32 $0x1  }
0xbe: {  	_ =	sfence.sel $0xFFFF  }
0xbf: {  	[dreg:$0x0] =	wrdreg $0xFFFFFFFF;
	(pc) =	sbr.abs _section_cstart, $3  }
0xc0: {  	[dreg:$0x1] =	wrdreg $0xFFFFFFFF  }
0xc1: {  	_ =	task.clear_ibuf [dreg:s6], $0x2FFFF;
	_ =	strace $0x9FFFFFFF  }
0xc2: {  	(tm) =	ssettm $0x7FFFFFFF  }
0xc3: {  	_ =	shalt  }
tec
execute0_lowered:
.L_overlay_start_1:
0x0: {  	(tag) =	ssettag $0x1  }
0x1: {  	s0 =	srdreg.scid;
	s6 =	rddreg [dreg:$0x0]  }
0x2: {  	s2 =	rddreg [dreg:$0x1];
	s3 =	simm.s32 $0x0;
	s15 =	simm.s32 $0x19C00  }
0x3: {  	s16 =	simm.s32 $0x1;
	s9 =	sand.u32 $0x1, s0;
	s0 =	stileid.u32  }
0x4: {  	s17 =	simm.s32 $0x0;
	[smem:$0x7FF] =	sst s3;
	s7 =	smul.u32 $0x13C000, s9  }
0x5: {  	s4 =	sadd.s32 $0x1BA00, s6;
	s1 =	sshll.u32 s9, $0x4;
	s8 =	smul.u32 $0x13C00, s0  }
0x6: {  	s28 =	ssub.s32 $0x2, s9;
	s11 =	smul.u32 $0x4F000, s0;
	s31 =	sshll.u32 s0, $0x6  }
0x7: {  	p0 =	seq.s32 s9, $0x0;
	s9 =	simm.s32 $0x5C;
	s1 =	sor.u32 s0, s1  }
0x8: {  	s29 =	sshrl.u32 s28, $0x1;
	s9 =	simm.s32 @!p0 $0x41;
	s5 =	smul.u32 $0x600, s1  }
0x9: {  	s1 =	rddreg [dreg:$0x2];
	_ =	strace $0x80000047;
	s26 =	sadd.s32 s8, s7  }
0xa: {  	s13 =	ssub.s32 s28, s29;
	s30 =	sshrl.u32 s11, $0x2;
	s7 =	sshrl.u32 s26, $0x3  }
0xb: {  	s14 =	sadd.s32 s30, s2;
	s11 =	smax.u32 s13, $0x1;
	s13 =	simm.s32 $0x2  }
0xc: {  	s10 =	sadd.s32 s5, s6;
	s5 =	sadd.s32 $0x43200, s6;
	s12 =	sadd.s32 s7, s6  }
0xd: {  	s6 =	sor.u32 $0x1C02, s31;
	s7 =	sadd.s32 $0xFA00, s10;
	s8 =	sadd.s32 $0x3A00, s10  }
0xe: {  	s10 =	sadd.s32 $0x45A00, s12;
	s12 =	sshrl.u32 s14, $0x3;
	s14 =	simm.s32 $0x80  }
.LBB2_1:
0xf: {  	[spmem:s12], [sflag:s6] =	dma.local [hbm:s5], $0x2780  }
0x10: {  	_ =	swait.ge [sflag:s13], $0x2780  }
0x11: {  	[sflag:s13] =	ssyncset.done $0x0  }
0x12: {  	s18 =	simm.s32 $0x13C00;
	[sflag:s13] =	ssyncadd.s32 $0xFFFFD880  }
0x13: {  	[tilespmem:s18], [sflag:$0x2] =	stream.linear.gather [hbm4b:s7+s3], $0x2E00, $0x38;
	[tilespmem:$0x1DC00] =	vst v63  }
0x14: {  	_ =	swait.ge [sflag:s13], $0x2E00  }
0x15: {  	[sflag:s13] =	ssyncset.done $0x0  }
0x16: {  	s19 =	simm.s32 $0x16C00;
	[sflag:s13] =	ssyncadd.s32 $0xFFFFD200  }
0x17: {  	[tilespmem:s19], [sflag:$0x2] =	stream.linear.gather [hbm4b:s8+s3], $0x2E00, $0x38;
	[tilespmem:$0x1DC00] =	vst v63  }
0x18: {  	_ =	swait.ge [sflag:s13], $0x2E00  }
0x19: {  	[sflag:s13] =	ssyncset.done $0x0  }
0x1a: {  	[sflag:s13] =	ssyncadd.s32 $0xFFFFD200  }
0x1b: {  	[bflag:$0x0] =	sbarrier.arrive $0xFFFF  }
0x1c: {  	[tilespmem:s15], [sflag:$0x1] =	stream.indirect.gather [hbm4b:s4+s14], $0x80, s18, s14, $0xb8;
	[tilespmem:$0x1DC00] =	vst v63  }
0x1d: {  	p0 =	sne.s32 s9, $0x1;
	_ =	swait.ge [sflag:s16], $0x4000  }
.Ltmp0:
0x1e: {  	[sflag:s16] =	ssyncset.done $0x0;
	(pc) =	sbr.rel @!p0 .LBB2_3-.Ltmp0, $4  }
0x1f: {  	[sflag:s16] =	ssyncadd.s32 $0xFFFFC000  }
0x20: {  	[spmem:s2] =	stream.indirect.scatter.add.f32 [tilespmem:s15], [sflag:$0x2], $0x80, s19, s14, $0xb8;
	[tilespmem:$0x1DC00] =	vst v63  }
0x21: {  	_ =	swait.ge [sflag:s13], $0x4000  }
0x22: {  	s20 =	sadd.s32 $0xFFFFFFFF, s9;
	[sflag:s13] =	ssyncset.done $0x0  }
.LBB2_2:
0x23: {  	[sflag:s13] =	ssyncadd.s32 $0xFFFFC000;
	s18 =	sadd.s32 $0x80, s18;
	s19 =	sadd.s32 $0x80, s19  }
0x24: {  	[tilespmem:s15], [sflag:$0x1] =	stream.indirect.gather [hbm4b:s4+s14], $0x80, s18, s14, $0xb8;
	[tilespmem:$0x1DC00] =	vst v63  }
0x25: {  	p0 =	sne.s32 s20, $0x1;
	s20 =	sadd.s32 $0xFFFFFFFF, s20;
	_ =	swait.ge [sflag:s16], $0x4000  }
.Ltmp1:
0x26: {  	[sflag:s16] =	ssyncset.done $0x0;
	(pc) =	sbr.rel @p0 .LBB2_2-.Ltmp1, $4  }
0x27: {  	[sflag:s16] =	ssyncadd.s32 $0xFFFFC000  }
0x28: {  	[spmem:s2] =	stream.indirect.scatter.add.f32 [tilespmem:s15], [sflag:$0x2], $0x80, s19, s14, $0xb8;
	[tilespmem:$0x1DC00] =	vst v63  }
0x29: {  	_ =	swait.ge [sflag:s13], $0x4000  }
0x2a: {  	[sflag:s13] =	ssyncset.done $0x0  }
.LBB2_3:
0x2b: {  	s17 =	sadd.s32 $0x1, s17  }
0x2c: {  	[sflag:s13] =	ssyncadd.s32 $0xFFFFC000;
	p0 =	sne.s32 s17, s11  }
.Ltmp2:
0x2d: {  	[bflag:$0x0] =	sbarrier.arrive $0xFFFF;
	(pc) =	sbr.rel @p0 .LBB2_1-.Ltmp2, $4  }
0x2e: {  	[hbm:s10], [sflag:s6] =	dma.local [spmem:s12], $0x2780  }
0x2f: {  	_ =	swait.ge [sflag:s13], $0x2780  }
0x30: {  	[sflag:s13] =	ssyncset.done $0x0  }
0x31: {  	[sflag:s13] =	ssyncadd.s32 $0xFFFFD880  }
0x32: {  	_ =	sfence.sel $0x180000  }
0x33: {  	[bflag:$0x0] =	sbarrier.arrive $0xFFFF  }
0x34: {  	p0 =	sne.s32 s0, $0x0;
	_ =	strace $0x90000047  }
0x35: {  	s0 =	sadd.s32 @!p0 $0x100000, s1;
	[bflag:$0x2] =	sbarrier.arrive $0xFFFF  }
0x36: {  	[sflag:s0] =	ssyncadd.tile.s32 @!p0 $0x1;
	_ =	shalt  }
.Lfunc_end2:
_tile_overlayer_lowered:
.L_overlay_start_2:
0x37: {  	(tag) =	ssettag $0x2  }
0x38: {  	s0 =	rddreg [dreg:$0x0];
	s2 =	stileid.u32  }
0x39: {  	s1 =	rddreg [dreg:$0x1];
	p0 =	sne.s32 s2, $0x0  }
0x3a: {  	s3 =	rddreg [dreg:$0x2];
	[bflag:$0x3] =	sbarrier.arrive $0xFFFF;
	s2 =	simm.s32 @!p0 $0x1C02  }
0x3b: {  	[timem:s3], [sflag:s2] =	dma.local @!p0 [hbm:s0], s1  }
0x3c: {  	s0 =	simm.s32 @!p0 $0x2  }
0x3d: {  	_ =	swait.ge @!p0 [sflag:s0], s1  }
0x3e: {  	s1 =	ssub.s32 @!p0 $0x0, s1;
	[sflag:s0] =	ssyncset.done @!p0 $0x0  }
0x3f: {  	[sflag:s0] =	ssyncadd.s32 @!p0 s1  }
0x40: {  	[bflag:$0x3] =	sbarrier.arrive $0xFFFF  }
0x41: {  	_ =	shalt  }

</sc_bundles>
